<compile_context>
chip_gen: v7x
topology: tpu7x:2x2x1
jax: 0.10.2.dev20260603
libtpu: 0.0.44.dev20260713+nightly
codegen_flags: <defaults>
</compile_context>

<pallas_src>
import functools

import jax
import jax.numpy as jnp
from jax import lax
from jax.experimental import pallas as pl
from jax.experimental.pallas import tpu as pltpu
from jax.experimental.pallas import tpu_sc as plsc

N = 10000
E = 320000
D = 128
NC = 2
NS = 16
NW = NC * NS
EPW = E // NW
C = 80
NCH = 125
EP = NW * NCH * C
NPD = 10240
RPTD = NPD // NS
NPA = 10240
RPTA = NPA // NS

_mesh = plsc.VectorSubcoreMesh(core_axis_name="c", subcore_axis_name="s")


def _deg_body(col_hbm, zeros_hbm, ones_hbm, deg_out, colv, onesv, degsh):
    c = lax.axis_index("c")
    s = lax.axis_index("s")
    pltpu.sync_copy(zeros_hbm.at[pl.ds(0, RPTD)],
                    degsh.at[pl.ds(s * RPTD, RPTD)])
    pltpu.sync_copy(ones_hbm, onesv)
    pltpu.sync_copy(col_hbm.at[c, s], colv)
    plsc.subcore_barrier()

    def body(j, carry):
        pltpu.sync_copy(onesv, degsh.at[colv.at[j]], add=True)
        return carry

    lax.fori_loop(0, NCH, body, 0)
    plsc.subcore_barrier()
    pltpu.sync_copy(
        degsh.at[pl.ds(s * RPTD, RPTD)],
        deg_out.at[pl.ds(c * NPD + s * RPTD, RPTD)],
    )


def _agg_body(row_hbm, col_hbm, y_hbm, zeros_hbm, agg_out,
              rowv, colv, msgv, aggsh, sem):
    c = lax.axis_index("c")
    s = lax.axis_index("s")
    pltpu.sync_copy(zeros_hbm, aggsh.at[pl.ds(s * RPTA, RPTA)])
    pltpu.sync_copy(row_hbm.at[c, s], rowv)
    pltpu.sync_copy(col_hbm.at[c, s], colv)
    plsc.subcore_barrier()

    def body(j, carry):
        pltpu.async_copy(y_hbm.at[rowv.at[j]], msgv, sem).wait()
        pltpu.sync_copy(msgv, aggsh.at[colv.at[j]], add=True)
        return carry

    lax.fori_loop(0, NCH, body, 0)
    plsc.subcore_barrier()
    pltpu.sync_copy(
        aggsh.at[pl.ds(s * RPTA, RPTA)], agg_out.at[c, pl.ds(s * RPTA, RPTA)]
    )


def _make_deg_kernel(interpret=False):
    return functools.partial(
        pl.kernel,
        mesh=_mesh,
        out_type=jax.ShapeDtypeStruct((NC * NPD,), jnp.float32),
        scratch_types=[
            pltpu.VMEM((NCH, C), jnp.int32),
            pltpu.VMEM((C,), jnp.float32),
            pltpu.VMEM_SHARED((NPD,), jnp.float32),
        ],
        interpret=interpret,
    )(_deg_body)


def _make_agg_kernel(interpret=False):
    return functools.partial(
        pl.kernel,
        mesh=_mesh,
        out_type=jax.ShapeDtypeStruct((NC, NPA, D), jnp.float32),
        scratch_types=[
            pltpu.VMEM((NCH, C), jnp.int32),
            pltpu.VMEM((NCH, C), jnp.int32),
            pltpu.VMEM((C, D), jnp.float32),
            pltpu.VMEM_SHARED((NPA, D), jnp.float32),
            pltpu.SemaphoreType.DMA,
        ],
        interpret=interpret,
    )(_agg_body)


_deg_kernel = _make_deg_kernel()
_agg_kernel = _make_agg_kernel()


def _scale_body(degt_ref, x_ref, y_ref):
    deg = degt_ref[:N, 0:1] + degt_ref[:N, 1:2] + 1.0
    dis = lax.rsqrt(deg)
    y_ref[...] = x_ref[...] * dis


def _dense_body(x_ref, agg_ref, degt_ref, cw_ref, cb_ref, gw_ref, gb_ref,
                gms_ref, l0w_ref, l0b_ref, l1w_ref, l1b_ref, out_ref):
    deg = degt_ref[:N, 0:1] + degt_ref[:N, 1:2] + 1.0
    dis = lax.rsqrt(deg)
    agg = agg_ref[0, :N, :] + agg_ref[1, :N, :]
    pre = dis * agg + (dis * dis) * x_ref[...]
    conv = jnp.dot(pre, cw_ref[...], preferred_element_type=jnp.float32)
    conv = conv + cb_ref[...]
    mean = jnp.mean(conv, axis=0, keepdims=True)
    t = conv - gms_ref[...] * mean
    var = jnp.mean(t * t, axis=0, keepdims=True)
    g = t * lax.rsqrt(var + 1e-5) * gw_ref[...] + gb_ref[...]
    g = jnp.maximum(g, 0.0)
    h1 = jnp.dot(g, l0w_ref[...], preferred_element_type=jnp.float32)
    h1 = jnp.maximum(h1 + l0b_ref[...], 0.0)
    out = jnp.dot(h1, l1w_ref[...], preferred_element_type=jnp.float32)
    out_ref[...] = out + l1b_ref[...]


def kernel(x, edge_index, conv_w, conv_b, gn_w, gn_b, gn_ms,
           lin0_w, lin0_b, lin1_w, lin1_b):
    pad = EP - E
    row = jnp.concatenate(
        [edge_index[0], jnp.zeros((pad,), jnp.int32)]).reshape(NC, NS, NCH, C)
    col = jnp.concatenate(
        [edge_index[1], jnp.full((pad,), N, jnp.int32)]).reshape(NC, NS, NCH, C)
    zeros_rows = jnp.zeros((RPTA, D), jnp.float32)
    zeros1d = jnp.zeros((NPD,), jnp.float32)
    ones1d = jnp.ones((C,), jnp.float32)

    deg = _deg_kernel(col, zeros1d, ones1d)
    degt = deg.reshape(NC, NPD).T

    y = pl.pallas_call(
        _scale_body,
        out_shape=jax.ShapeDtypeStruct((N, D), jnp.float32),
    )(degt, x)

    agg = _agg_kernel(row, col, y, zeros_rows)

    out = pl.pallas_call(
        _dense_body,
        out_shape=jax.ShapeDtypeStruct((N, D), jnp.float32),
    )(x, agg, degt, conv_w, conv_b.reshape(1, D), gn_w.reshape(1, D),
      gn_b.reshape(1, D), gn_ms.reshape(1, D), lin0_w,
      lin0_b.reshape(1, D), lin1_w, lin1_b.reshape(1, D))
    return out

# --- scband reference (transcript-rebuilt; emitter-appended) ---
"""Pipeline reference for scband-gcn-34308198760738 (READ-ONLY COPY).

The authoritative reference and input builder live on the scoring server;
editing this copy changes nothing except your own understanding.
"""

import jax, jax.numpy as jnp
import numpy as np

N = 10000
E = 320000
D = 128


def setup_inputs(seed: int = 0) -> dict:
    key = jax.random.key(seed)
    ks = jax.random.split(key, 12)
    x = jax.random.normal(ks[0], (N, D), dtype=jnp.float32)
    edge_index = jax.random.randint(ks[1], (2, E), 0, N, dtype=jnp.int32)
    s = 1.0 / np.sqrt(D)
    conv_w = jax.random.normal(ks[2], (D, D), dtype=jnp.float32) * s
    conv_b = jnp.zeros((D,), dtype=jnp.float32)
    gn_w = jnp.ones((D,), dtype=jnp.float32)
    gn_b = jnp.zeros((D,), dtype=jnp.float32)
    gn_ms = jnp.ones((D,), dtype=jnp.float32)
    lin0_w = jax.random.normal(ks[3], (D, D), dtype=jnp.float32) * s
    lin0_b = jax.random.normal(ks[4], (D,), dtype=jnp.float32) * s
    lin1_w = jax.random.normal(ks[5], (D, D), dtype=jnp.float32) * s
    lin1_b = jax.random.normal(ks[6], (D,), dtype=jnp.float32) * s
    return {"x": x, "edge_index": edge_index, "conv_w": conv_w, "conv_b": conv_b,
            "gn_w": gn_w, "gn_b": gn_b, "gn_ms": gn_ms,
            "lin0_w": lin0_w, "lin0_b": lin0_b, "lin1_w": lin1_w, "lin1_b": lin1_b}


def _gcn_conv(x, edge_index, W, b):
    # PyG GCNConv: linear transform, add self-loops, symmetric normalization, scatter-add
    h = x @ W
    loop = jnp.arange(N, dtype=edge_index.dtype)
    row = jnp.concatenate([edge_index[0], loop])
    col = jnp.concatenate([edge_index[1], loop])
    deg = jnp.zeros((N,), dtype=h.dtype).at[col].add(1.0)
    deg_inv_sqrt = jnp.where(deg > 0, jax.lax.rsqrt(jnp.maximum(deg, 1e-12)), 0.0)
    norm = deg_inv_sqrt[row] * deg_inv_sqrt[col]
    msg = h[row] * norm[:, None]
    out = jax.ops.segment_sum(msg, col, num_segments=N)
    return out + b


def _graph_norm(x, w, b, mean_scale, eps=1e-5):
    # PyG GraphNorm with single graph (batch=None)
    mean = jnp.mean(x, axis=0, keepdims=True)
    out = x - mean_scale * mean
    var = jnp.mean(out * out, axis=0, keepdims=True)
    return out / jnp.sqrt(var + eps) * w + b


def reference(x, edge_index, conv_w, conv_b, gn_w, gn_b, gn_ms,
              lin0_w, lin0_b, lin1_w, lin1_b):
    # NOTE: original torch code zips convs (len 2) with batch_norms (len 1),
    # so only the FIRST conv + graphnorm is applied. Replicated faithfully.
    h = _gcn_conv(x, edge_index, conv_w, conv_b)
    h = jax.nn.relu(_graph_norm(h, gn_w, gn_b, gn_ms))
    # linear stack: dropout_rate=None -> no dropout applied
    h = jax.nn.relu(h @ lin0_w + lin0_b)
    out = h @ lin1_w + lin1_b
    return out

if __name__ == "__main__":
    import jax
    _d = setup_inputs()
    print(jax.jit(kernel)(*tuple(_d.values())))

</pallas_src>

<mosaic_0001>
#map = affine_map<(d0, d1) -> (0, 0, 0, 0)>
#map1 = affine_map<(d0, d1) -> (0, 0)>
#map2 = affine_map<(d0, d1) -> (0, 0, 0)>
module attributes {stable_mosaic.version = 14 : i64} {
  func.func @_agg_body(%arg0: i32, %arg1: i32, %arg2: memref<2x16x125x80xi32, #tpu.memory_space<hbm>>, %arg3: memref<2x16x125x80xi32, #tpu.memory_space<hbm>>, %arg4: memref<10000x128xf32, #tpu.memory_space<hbm>>, %arg5: memref<640x128xf32, #tpu.memory_space<hbm>>, %arg6: memref<2x10240x128xf32, #tpu.memory_space<hbm>>, %arg7: memref<125x80xi32, #tpu.memory_space<vmem>>, %arg8: memref<125x80xi32, #tpu.memory_space<vmem>>, %arg9: memref<80x128xf32, #tpu.memory_space<vmem>>, %arg10: memref<10240x128xf32, #tpu.memory_space<vmem_shared>>, %arg11: memref<!tpu.dma_semaphore, #tpu.memory_space<semaphore_mem>>) attributes {dimension_semantics = [#tpu.dimension_semantics<core_parallel>, #tpu.dimension_semantics<subcore_parallel>], iteration_bounds = array<i64: 2, 16>, scalar_prefetch = 0 : i64, scratch_operands = 5 : i64, tpu.core_type = #tpu.core_type<sc_vector_subcore>, window_params = [{transform_indices = #map}, {transform_indices = #map}, {transform_indices = #map1}, {transform_indices = #map1}, {transform_indices = #map2}]} {
    %mul3A = arith.constant 640 : i32
    %mul3A_0 = arith.muli %arg1, %mul3A : i32
    "tpu.region"() ({
      %run_scoped3A = tpu.sem_alloc : memref<!tpu.dma_semaphore, #tpu.memory_space<semaphore_mem>>
      %dma_start3A = arith.constant 0 : i32
      %dma_start3A_11 = tpu.memref_slice %arg10[%mul3A_0, %dma_start3A] : memref<10240x128xf32, #tpu.memory_space<vmem_shared>> -> memref<640x128xf32, #tpu.memory_space<vmem_shared>>
      tpu.enqueue_dma source(%arg5 : memref<640x128xf32, #tpu.memory_space<hbm>>) target(%dma_start3A_11 : memref<640x128xf32, #tpu.memory_space<vmem_shared>>) target_semaphore(%run_scoped3A : memref<!tpu.dma_semaphore, #tpu.memory_space<semaphore_mem>>)
      %dma_wait3A = arith.constant 0 : i32
      %dma_wait3A_12 = tpu.memref_slice %arg10[%mul3A_0, %dma_wait3A] : memref<10240x128xf32, #tpu.memory_space<vmem_shared>> -> memref<640x128xf32, #tpu.memory_space<vmem_shared>>
      tpu.wait_dma2 semaphore(%run_scoped3A : memref<!tpu.dma_semaphore, #tpu.memory_space<semaphore_mem>>) src(%arg5 : memref<640x128xf32, #tpu.memory_space<hbm>>) dst(%dma_wait3A_12 : memref<640x128xf32, #tpu.memory_space<vmem_shared>>)
      tpu.yield
    }) : () -> ()
    "tpu.region"() ({
      %run_scoped3A = tpu.sem_alloc : memref<!tpu.dma_semaphore, #tpu.memory_space<semaphore_mem>>
      %dma_start3A = arith.constant 0 : i32
      %dma_start3A_11 = arith.constant 0 : i32
      %dma_start3A_12 = tpu.memref_slice %arg2[%arg0, %arg1, %dma_start3A, %dma_start3A_11] : memref<2x16x125x80xi32, #tpu.memory_space<hbm>> -> memref<1x1x125x80xi32, #tpu.memory_space<hbm>>
      %dma_start3A_13 = tpu.memref_squeeze %dma_start3A_12 : memref<1x1x125x80xi32, #tpu.memory_space<hbm>> -> memref<125x80xi32, #tpu.memory_space<hbm>>
      %dma_start3A_14 = arith.constant 0 : i32
      %dma_start3A_15 = arith.constant 0 : i32
      %dma_start3A_16 = tpu.memref_slice %arg2[%arg0, %arg1, %dma_start3A_14, %dma_start3A_15] : memref<2x16x125x80xi32, #tpu.memory_space<hbm>> -> memref<1x1x125x80xi32, #tpu.memory_space<hbm>>
      %dma_start3A_17 = tpu.memref_squeeze %dma_start3A_16 : memref<1x1x125x80xi32, #tpu.memory_space<hbm>> -> memref<125x80xi32, #tpu.memory_space<hbm>>
      tpu.enqueue_dma source(%dma_start3A_17 : memref<125x80xi32, #tpu.memory_space<hbm>>) target(%arg7 : memref<125x80xi32, #tpu.memory_space<vmem>>) target_semaphore(%run_scoped3A : memref<!tpu.dma_semaphore, #tpu.memory_space<semaphore_mem>>)
      %dma_wait3A = arith.constant 0 : i32
      %dma_wait3A_18 = arith.constant 0 : i32
      %dma_wait3A_19 = tpu.memref_slice %arg2[%arg0, %arg1, %dma_wait3A, %dma_wait3A_18] : memref<2x16x125x80xi32, #tpu.memory_space<hbm>> -> memref<1x1x125x80xi32, #tpu.memory_space<hbm>>
      %dma_wait3A_20 = tpu.memref_squeeze %dma_wait3A_19 : memref<1x1x125x80xi32, #tpu.memory_space<hbm>> -> memref<125x80xi32, #tpu.memory_space<hbm>>
      %dma_wait3A_21 = arith.constant 0 : i32
      %dma_wait3A_22 = arith.constant 0 : i32
      %dma_wait3A_23 = tpu.memref_slice %arg2[%arg0, %arg1, %dma_wait3A_21, %dma_wait3A_22] : memref<2x16x125x80xi32, #tpu.memory_space<hbm>> -> memref<1x1x125x80xi32, #tpu.memory_space<hbm>>
      %dma_wait3A_24 = tpu.memref_squeeze %dma_wait3A_23 : memref<1x1x125x80xi32, #tpu.memory_space<hbm>> -> memref<125x80xi32, #tpu.memory_space<hbm>>
      tpu.wait_dma2 semaphore(%run_scoped3A : memref<!tpu.dma_semaphore, #tpu.memory_space<semaphore_mem>>) src(%dma_wait3A_24 : memref<125x80xi32, #tpu.memory_space<hbm>>) dst(%arg7 : memref<125x80xi32, #tpu.memory_space<vmem>>)
      tpu.yield
    }) : () -> ()
    "tpu.region"() ({
      %run_scoped3A = tpu.sem_alloc : memref<!tpu.dma_semaphore, #tpu.memory_space<semaphore_mem>>
      %dma_start3A = arith.constant 0 : i32
      %dma_start3A_11 = arith.constant 0 : i32
      %dma_start3A_12 = tpu.memref_slice %arg3[%arg0, %arg1, %dma_start3A, %dma_start3A_11] : memref<2x16x125x80xi32, #tpu.memory_space<hbm>> -> memref<1x1x125x80xi32, #tpu.memory_space<hbm>>
      %dma_start3A_13 = tpu.memref_squeeze %dma_start3A_12 : memref<1x1x125x80xi32, #tpu.memory_space<hbm>> -> memref<125x80xi32, #tpu.memory_space<hbm>>
      %dma_start3A_14 = arith.constant 0 : i32
      %dma_start3A_15 = arith.constant 0 : i32
      %dma_start3A_16 = tpu.memref_slice %arg3[%arg0, %arg1, %dma_start3A_14, %dma_start3A_15] : memref<2x16x125x80xi32, #tpu.memory_space<hbm>> -> memref<1x1x125x80xi32, #tpu.memory_space<hbm>>
      %dma_start3A_17 = tpu.memref_squeeze %dma_start3A_16 : memref<1x1x125x80xi32, #tpu.memory_space<hbm>> -> memref<125x80xi32, #tpu.memory_space<hbm>>
      tpu.enqueue_dma source(%dma_start3A_17 : memref<125x80xi32, #tpu.memory_space<hbm>>) target(%arg8 : memref<125x80xi32, #tpu.memory_space<vmem>>) target_semaphore(%run_scoped3A : memref<!tpu.dma_semaphore, #tpu.memory_space<semaphore_mem>>)
      %dma_wait3A = arith.constant 0 : i32
      %dma_wait3A_18 = arith.constant 0 : i32
      %dma_wait3A_19 = tpu.memref_slice %arg3[%arg0, %arg1, %dma_wait3A, %dma_wait3A_18] : memref<2x16x125x80xi32, #tpu.memory_space<hbm>> -> memref<1x1x125x80xi32, #tpu.memory_space<hbm>>
      %dma_wait3A_20 = tpu.memref_squeeze %dma_wait3A_19 : memref<1x1x125x80xi32, #tpu.memory_space<hbm>> -> memref<125x80xi32, #tpu.memory_space<hbm>>
      %dma_wait3A_21 = arith.constant 0 : i32
      %dma_wait3A_22 = arith.constant 0 : i32
      %dma_wait3A_23 = tpu.memref_slice %arg3[%arg0, %arg1, %dma_wait3A_21, %dma_wait3A_22] : memref<2x16x125x80xi32, #tpu.memory_space<hbm>> -> memref<1x1x125x80xi32, #tpu.memory_space<hbm>>
      %dma_wait3A_24 = tpu.memref_squeeze %dma_wait3A_23 : memref<1x1x125x80xi32, #tpu.memory_space<hbm>> -> memref<125x80xi32, #tpu.memory_space<hbm>>
      tpu.wait_dma2 semaphore(%run_scoped3A : memref<!tpu.dma_semaphore, #tpu.memory_space<semaphore_mem>>) src(%dma_wait3A_24 : memref<125x80xi32, #tpu.memory_space<hbm>>) dst(%arg8 : memref<125x80xi32, #tpu.memory_space<vmem>>)
      tpu.yield
    }) : () -> ()
    %barrier3A = arith.constant 0 : index
    tpu.barrier barrier_id(%barrier3A)
    %scan3A = arith.constant 0 : i32
    %scan3A_1 = arith.constant 0 : i32
    %scan3A_2 = arith.constant 125 : i32
    %scan3A_3 = arith.addi %scan3A_1, %scan3A_2 : i32
    %scan3A_4 = arith.constant 1 : i32
    scf.for %scan3A_11 = %scan3A_1 to %scan3A_3 step %scan3A_4  : i32 {
      %dma_start3A = arith.constant 0 : i32
      %dma_start3A_12 = tpu.memref_slice %arg7[%scan3A_11, %dma_start3A] : memref<125x80xi32, #tpu.memory_space<vmem>> -> memref<1x80xi32, #tpu.memory_space<vmem>>
      %dma_start3A_13 = tpu.memref_squeeze %dma_start3A_12 : memref<1x80xi32, #tpu.memory_space<vmem>> -> memref<80xi32, #tpu.memory_space<vmem>>
      %dma_start3A_14 = arith.constant 0 : i32
      %dma_start3A_15 = arith.constant 0 : i32
      %dma_start3A_16 = tpu.memref_slice %arg4[%dma_start3A_14, %dma_start3A_15] : memref<10000x128xf32, #tpu.memory_space<hbm>> -> memref<10000x128xf32, #tpu.memory_space<hbm>>
      tpu.enqueue_indirect_dma source(%dma_start3A_16 : memref<10000x128xf32, #tpu.memory_space<hbm>>) target(%arg9 : memref<80x128xf32, #tpu.memory_space<vmem>>) offsets(%dma_start3A_13 : memref<80xi32, #tpu.memory_space<vmem>>) semaphore(%arg11 : memref<!tpu.dma_semaphore, #tpu.memory_space<semaphore_mem>>)
      %dma_wait3A = arith.constant 0 : i32
      %dma_wait3A_17 = tpu.memref_slice %arg7[%scan3A_11, %dma_wait3A] : memref<125x80xi32, #tpu.memory_space<vmem>> -> memref<1x80xi32, #tpu.memory_space<vmem>>
      %dma_wait3A_18 = tpu.memref_squeeze %dma_wait3A_17 : memref<1x80xi32, #tpu.memory_space<vmem>> -> memref<80xi32, #tpu.memory_space<vmem>>
      %dma_wait3A_19 = arith.constant 0 : i32
      %dma_wait3A_20 = arith.constant 0 : i32
      %dma_wait3A_21 = tpu.memref_slice %arg4[%dma_wait3A_19, %dma_wait3A_20] : memref<10000x128xf32, #tpu.memory_space<hbm>> -> memref<10000x128xf32, #tpu.memory_space<hbm>>
      tpu.wait_indirect_dma semaphore(%arg11 : memref<!tpu.dma_semaphore, #tpu.memory_space<semaphore_mem>>) src(%dma_wait3A_21 : memref<10000x128xf32, #tpu.memory_space<hbm>>) dst(%arg9 : memref<80x128xf32, #tpu.memory_space<vmem>>)
      "tpu.region"() ({
        %run_scoped3A = tpu.sem_alloc : memref<!tpu.dma_semaphore, #tpu.memory_space<semaphore_mem>>
        %dma_start3A_22 = arith.constant 0 : i32
        %dma_start3A_23 = tpu.memref_slice %arg8[%scan3A_11, %dma_start3A_22] : memref<125x80xi32, #tpu.memory_space<vmem>> -> memref<1x80xi32, #tpu.memory_space<vmem>>
        %dma_start3A_24 = tpu.memref_squeeze %dma_start3A_23 : memref<1x80xi32, #tpu.memory_space<vmem>> -> memref<80xi32, #tpu.memory_space<vmem>>
        %dma_start3A_25 = arith.constant 0 : i32
        %dma_start3A_26 = arith.constant 0 : i32
        %dma_start3A_27 = tpu.memref_slice %arg10[%dma_start3A_25, %dma_start3A_26] : memref<10240x128xf32, #tpu.memory_space<vmem_shared>> -> memref<10240x128xf32, #tpu.memory_space<vmem_shared>>
        tpu.enqueue_indirect_dma source(%arg9 : memref<80x128xf32, #tpu.memory_space<vmem>>) target(%dma_start3A_27 : memref<10240x128xf32, #tpu.memory_space<vmem_shared>>) offsets(%dma_start3A_24 : memref<80xi32, #tpu.memory_space<vmem>>) semaphore(%run_scoped3A : memref<!tpu.dma_semaphore, #tpu.memory_space<semaphore_mem>>) {add = true}
        %dma_wait3A_28 = arith.constant 0 : i32
        %dma_wait3A_29 = tpu.memref_slice %arg8[%scan3A_11, %dma_wait3A_28] : memref<125x80xi32, #tpu.memory_space<vmem>> -> memref<1x80xi32, #tpu.memory_space<vmem>>
        %dma_wait3A_30 = tpu.memref_squeeze %dma_wait3A_29 : memref<1x80xi32, #tpu.memory_space<vmem>> -> memref<80xi32, #tpu.memory_space<vmem>>
        %dma_wait3A_31 = arith.constant 0 : i32
        %dma_wait3A_32 = arith.constant 0 : i32
        %dma_wait3A_33 = tpu.memref_slice %arg10[%dma_wait3A_31, %dma_wait3A_32] : memref<10240x128xf32, #tpu.memory_space<vmem_shared>> -> memref<10240x128xf32, #tpu.memory_space<vmem_shared>>
        tpu.wait_indirect_dma semaphore(%run_scoped3A : memref<!tpu.dma_semaphore, #tpu.memory_space<semaphore_mem>>) src(%arg9 : memref<80x128xf32, #tpu.memory_space<vmem>>) dst(%dma_wait3A_33 : memref<10240x128xf32, #tpu.memory_space<vmem_shared>>)
        tpu.yield
      }) : () -> ()
    }
    %scan3A_5 = arith.constant 125 : i32
    %barrier3A_6 = arith.constant 0 : index
    tpu.barrier barrier_id(%barrier3A_6)
    %mul3A_7 = arith.constant 640 : i32
    %mul3A_8 = arith.muli %arg1, %mul3A_7 : i32
    %mul3A_9 = arith.constant 640 : i32
    %mul3A_10 = arith.muli %arg1, %mul3A_9 : i32
    "tpu.region"() ({
      %run_scoped3A = tpu.sem_alloc : memref<!tpu.dma_semaphore, #tpu.memory_space<semaphore_mem>>
      %dma_start3A = arith.constant 0 : i32
      %dma_start3A_11 = tpu.memref_slice %arg6[%arg0, %mul3A_10, %dma_start3A] : memref<2x10240x128xf32, #tpu.memory_space<hbm>> -> memref<1x640x128xf32, #tpu.memory_space<hbm>>
      %dma_start3A_12 = tpu.memref_squeeze %dma_start3A_11 : memref<1x640x128xf32, #tpu.memory_space<hbm>> -> memref<640x128xf32, #tpu.memory_space<hbm>>
      %dma_start3A_13 = arith.constant 0 : i32
      %dma_start3A_14 = tpu.memref_slice %arg10[%mul3A_8, %dma_start3A_13] : memref<10240x128xf32, #tpu.memory_space<vmem_shared>> -> memref<640x128xf32, #tpu.memory_space<vmem_shared>>
      tpu.enqueue_dma source(%dma_start3A_14 : memref<640x128xf32, #tpu.memory_space<vmem_shared>>) target(%dma_start3A_12 : memref<640x128xf32, #tpu.memory_space<hbm>>) target_semaphore(%run_scoped3A : memref<!tpu.dma_semaphore, #tpu.memory_space<semaphore_mem>>)
      %dma_wait3A = arith.constant 0 : i32
      %dma_wait3A_15 = tpu.memref_slice %arg6[%arg0, %mul3A_10, %dma_wait3A] : memref<2x10240x128xf32, #tpu.memory_space<hbm>> -> memref<1x640x128xf32, #tpu.memory_space<hbm>>
      %dma_wait3A_16 = tpu.memref_squeeze %dma_wait3A_15 : memref<1x640x128xf32, #tpu.memory_space<hbm>> -> memref<640x128xf32, #tpu.memory_space<hbm>>
      %dma_wait3A_17 = arith.constant 0 : i32
      %dma_wait3A_18 = tpu.memref_slice %arg10[%mul3A_8, %dma_wait3A_17] : memref<10240x128xf32, #tpu.memory_space<vmem_shared>> -> memref<640x128xf32, #tpu.memory_space<vmem_shared>>
      tpu.wait_dma2 semaphore(%run_scoped3A : memref<!tpu.dma_semaphore, #tpu.memory_space<semaphore_mem>>) src(%dma_wait3A_18 : memref<640x128xf32, #tpu.memory_space<vmem_shared>>) dst(%dma_wait3A_16 : memref<640x128xf32, #tpu.memory_space<hbm>>)
      tpu.yield
    }) : () -> ()
    return
  }
}

#map = affine_map<(d0, d1) -> (0, 0, 0, 0)>
#map1 = affine_map<(d0, d1) -> (0)>
module attributes {stable_mosaic.version = 14 : i64} {
  func.func @_deg_body(%arg0: i32, %arg1: i32, %arg2: memref<2x16x125x80xi32, #tpu.memory_space<hbm>>, %arg3: memref<10240xf32, #tpu.memory_space<hbm>>, %arg4: memref<80xf32, #tpu.memory_space<hbm>>, %arg5: memref<20480xf32, #tpu.memory_space<hbm>>, %arg6: memref<125x80xi32, #tpu.memory_space<vmem>>, %arg7: memref<80xf32, #tpu.memory_space<vmem>>, %arg8: memref<10240xf32, #tpu.memory_space<vmem_shared>>) attributes {dimension_semantics = [#tpu.dimension_semantics<core_parallel>, #tpu.dimension_semantics<subcore_parallel>], iteration_bounds = array<i64: 2, 16>, scalar_prefetch = 0 : i64, scratch_operands = 3 : i64, tpu.core_type = #tpu.core_type<sc_vector_subcore>, window_params = [{transform_indices = #map}, {transform_indices = #map1}, {transform_indices = #map1}, {transform_indices = #map1}]} {
    %mul3A = arith.constant 640 : i32
    %mul3A_0 = arith.muli %arg1, %mul3A : i32
    "tpu.region"() ({
      %run_scoped3A = tpu.sem_alloc : memref<!tpu.dma_semaphore, #tpu.memory_space<semaphore_mem>>
      %dma_start3A = tpu.memref_slice %arg8[%mul3A_0] : memref<10240xf32, #tpu.memory_space<vmem_shared>> -> memref<640xf32, #tpu.memory_space<vmem_shared>>
      %dma_start3A_13 = arith.constant 0 : i32
      %dma_start3A_14 = tpu.memref_slice %arg3[%dma_start3A_13] : memref<10240xf32, #tpu.memory_space<hbm>> -> memref<640xf32, #tpu.memory_space<hbm>>
      tpu.enqueue_dma source(%dma_start3A_14 : memref<640xf32, #tpu.memory_space<hbm>>) target(%dma_start3A : memref<640xf32, #tpu.memory_space<vmem_shared>>) target_semaphore(%run_scoped3A : memref<!tpu.dma_semaphore, #tpu.memory_space<semaphore_mem>>)
      %dma_wait3A = tpu.memref_slice %arg8[%mul3A_0] : memref<10240xf32, #tpu.memory_space<vmem_shared>> -> memref<640xf32, #tpu.memory_space<vmem_shared>>
      %dma_wait3A_15 = arith.constant 0 : i32
      %dma_wait3A_16 = tpu.memref_slice %arg3[%dma_wait3A_15] : memref<10240xf32, #tpu.memory_space<hbm>> -> memref<640xf32, #tpu.memory_space<hbm>>
      tpu.wait_dma2 semaphore(%run_scoped3A : memref<!tpu.dma_semaphore, #tpu.memory_space<semaphore_mem>>) src(%dma_wait3A_16 : memref<640xf32, #tpu.memory_space<hbm>>) dst(%dma_wait3A : memref<640xf32, #tpu.memory_space<vmem_shared>>)
      tpu.yield
    }) : () -> ()
    "tpu.region"() ({
      %run_scoped3A = tpu.sem_alloc : memref<!tpu.dma_semaphore, #tpu.memory_space<semaphore_mem>>
      tpu.enqueue_dma source(%arg4 : memref<80xf32, #tpu.memory_space<hbm>>) target(%arg7 : memref<80xf32, #tpu.memory_space<vmem>>) target_semaphore(%run_scoped3A : memref<!tpu.dma_semaphore, #tpu.memory_space<semaphore_mem>>)
      tpu.wait_dma2 semaphore(%run_scoped3A : memref<!tpu.dma_semaphore, #tpu.memory_space<semaphore_mem>>) src(%arg4 : memref<80xf32, #tpu.memory_space<hbm>>) dst(%arg7 : memref<80xf32, #tpu.memory_space<vmem>>)
      tpu.yield
    }) : () -> ()
    "tpu.region"() ({
      %run_scoped3A = tpu.sem_alloc : memref<!tpu.dma_semaphore, #tpu.memory_space<semaphore_mem>>
      %dma_start3A = arith.constant 0 : i32
      %dma_start3A_13 = arith.constant 0 : i32
      %dma_start3A_14 = tpu.memref_slice %arg2[%arg0, %arg1, %dma_start3A, %dma_start3A_13] : memref<2x16x125x80xi32, #tpu.memory_space<hbm>> -> memref<1x1x125x80xi32, #tpu.memory_space<hbm>>
      %dma_start3A_15 = tpu.memref_squeeze %dma_start3A_14 : memref<1x1x125x80xi32, #tpu.memory_space<hbm>> -> memref<125x80xi32, #tpu.memory_space<hbm>>
      %dma_start3A_16 = arith.constant 0 : i32
      %dma_start3A_17 = arith.constant 0 : i32
      %dma_start3A_18 = tpu.memref_slice %arg2[%arg0, %arg1, %dma_start3A_16, %dma_start3A_17] : memref<2x16x125x80xi32, #tpu.memory_space<hbm>> -> memref<1x1x125x80xi32, #tpu.memory_space<hbm>>
      %dma_start3A_19 = tpu.memref_squeeze %dma_start3A_18 : memref<1x1x125x80xi32, #tpu.memory_space<hbm>> -> memref<125x80xi32, #tpu.memory_space<hbm>>
      tpu.enqueue_dma source(%dma_start3A_19 : memref<125x80xi32, #tpu.memory_space<hbm>>) target(%arg6 : memref<125x80xi32, #tpu.memory_space<vmem>>) target_semaphore(%run_scoped3A : memref<!tpu.dma_semaphore, #tpu.memory_space<semaphore_mem>>)
      %dma_wait3A = arith.constant 0 : i32
      %dma_wait3A_20 = arith.constant 0 : i32
      %dma_wait3A_21 = tpu.memref_slice %arg2[%arg0, %arg1, %dma_wait3A, %dma_wait3A_20] : memref<2x16x125x80xi32, #tpu.memory_space<hbm>> -> memref<1x1x125x80xi32, #tpu.memory_space<hbm>>
      %dma_wait3A_22 = tpu.memref_squeeze %dma_wait3A_21 : memref<1x1x125x80xi32, #tpu.memory_space<hbm>> -> memref<125x80xi32, #tpu.memory_space<hbm>>
      %dma_wait3A_23 = arith.constant 0 : i32
      %dma_wait3A_24 = arith.constant 0 : i32
      %dma_wait3A_25 = tpu.memref_slice %arg2[%arg0, %arg1, %dma_wait3A_23, %dma_wait3A_24] : memref<2x16x125x80xi32, #tpu.memory_space<hbm>> -> memref<1x1x125x80xi32, #tpu.memory_space<hbm>>
      %dma_wait3A_26 = tpu.memref_squeeze %dma_wait3A_25 : memref<1x1x125x80xi32, #tpu.memory_space<hbm>> -> memref<125x80xi32, #tpu.memory_space<hbm>>
      tpu.wait_dma2 semaphore(%run_scoped3A : memref<!tpu.dma_semaphore, #tpu.memory_space<semaphore_mem>>) src(%dma_wait3A_26 : memref<125x80xi32, #tpu.memory_space<hbm>>) dst(%arg6 : memref<125x80xi32, #tpu.memory_space<vmem>>)
      tpu.yield
    }) : () -> ()
    %barrier3A = arith.constant 0 : index
    tpu.barrier barrier_id(%barrier3A)
    %scan3A = arith.constant 0 : i32
    %scan3A_1 = arith.constant 0 : i32
    %scan3A_2 = arith.constant 125 : i32
    %scan3A_3 = arith.addi %scan3A_1, %scan3A_2 : i32
    %scan3A_4 = arith.constant 1 : i32
    scf.for %scan3A_13 = %scan3A_1 to %scan3A_3 step %scan3A_4  : i32 {
      "tpu.region"() ({
        %run_scoped3A = tpu.sem_alloc : memref<!tpu.dma_semaphore, #tpu.memory_space<semaphore_mem>>
        %dma_start3A = arith.constant 0 : i32
        %dma_start3A_14 = tpu.memref_slice %arg6[%scan3A_13, %dma_start3A] : memref<125x80xi32, #tpu.memory_space<vmem>> -> memref<1x80xi32, #tpu.memory_space<vmem>>
        %dma_start3A_15 = tpu.memref_squeeze %dma_start3A_14 : memref<1x80xi32, #tpu.memory_space<vmem>> -> memref<80xi32, #tpu.memory_space<vmem>>
        %dma_start3A_16 = arith.constant 0 : i32
        %dma_start3A_17 = tpu.memref_slice %arg8[%dma_start3A_16] : memref<10240xf32, #tpu.memory_space<vmem_shared>> -> memref<10240xf32, #tpu.memory_space<vmem_shared>>
        tpu.enqueue_indirect_dma source(%arg7 : memref<80xf32, #tpu.memory_space<vmem>>) target(%dma_start3A_17 : memref<10240xf32, #tpu.memory_space<vmem_shared>>) offsets(%dma_start3A_15 : memref<80xi32, #tpu.memory_space<vmem>>) semaphore(%run_scoped3A : memref<!tpu.dma_semaphore, #tpu.memory_space<semaphore_mem>>) {add = true}
        %dma_wait3A = arith.constant 0 : i32
        %dma_wait3A_18 = tpu.memref_slice %arg6[%scan3A_13, %dma_wait3A] : memref<125x80xi32, #tpu.memory_space<vmem>> -> memref<1x80xi32, #tpu.memory_space<vmem>>
        %dma_wait3A_19 = tpu.memref_squeeze %dma_wait3A_18 : memref<1x80xi32, #tpu.memory_space<vmem>> -> memref<80xi32, #tpu.memory_space<vmem>>
        %dma_wait3A_20 = arith.constant 0 : i32
        %dma_wait3A_21 = tpu.memref_slice %arg8[%dma_wait3A_20] : memref<10240xf32, #tpu.memory_space<vmem_shared>> -> memref<10240xf32, #tpu.memory_space<vmem_shared>>
        tpu.wait_indirect_dma semaphore(%run_scoped3A : memref<!tpu.dma_semaphore, #tpu.memory_space<semaphore_mem>>) src(%arg7 : memref<80xf32, #tpu.memory_space<vmem>>) dst(%dma_wait3A_21 : memref<10240xf32, #tpu.memory_space<vmem_shared>>)
        tpu.yield
      }) : () -> ()
    }
    %scan3A_5 = arith.constant 125 : i32
    %barrier3A_6 = arith.constant 0 : index
    tpu.barrier barrier_id(%barrier3A_6)
    %mul3A_7 = arith.constant 640 : i32
    %mul3A_8 = arith.muli %arg1, %mul3A_7 : i32
    %mul3A_9 = arith.constant 10240 : i32
    %mul3A_10 = arith.muli %arg0, %mul3A_9 : i32
    %mul3A_11 = arith.constant 640 : i32
    %mul3A_12 = arith.muli %arg1, %mul3A_11 : i32
    %add3A = arith.addi %mul3A_10, %mul3A_12 : i32
    "tpu.region"() ({
      %run_scoped3A = tpu.sem_alloc : memref<!tpu.dma_semaphore, #tpu.memory_space<semaphore_mem>>
      %dma_start3A = tpu.memref_slice %arg5[%add3A] : memref<20480xf32, #tpu.memory_space<hbm>> -> memref<640xf32, #tpu.memory_space<hbm>>
      %dma_start3A_13 = tpu.memref_slice %arg8[%mul3A_8] : memref<10240xf32, #tpu.memory_space<vmem_shared>> -> memref<640xf32, #tpu.memory_space<vmem_shared>>
      tpu.enqueue_dma source(%dma_start3A_13 : memref<640xf32, #tpu.memory_space<vmem_shared>>) target(%dma_start3A : memref<640xf32, #tpu.memory_space<hbm>>) target_semaphore(%run_scoped3A : memref<!tpu.dma_semaphore, #tpu.memory_space<semaphore_mem>>)
      %dma_wait3A = tpu.memref_slice %arg5[%add3A] : memref<20480xf32, #tpu.memory_space<hbm>> -> memref<640xf32, #tpu.memory_space<hbm>>
      %dma_wait3A_14 = tpu.memref_slice %arg8[%mul3A_8] : memref<10240xf32, #tpu.memory_space<vmem_shared>> -> memref<640xf32, #tpu.memory_space<vmem_shared>>
      tpu.wait_dma2 semaphore(%run_scoped3A : memref<!tpu.dma_semaphore, #tpu.memory_space<semaphore_mem>>) src(%dma_wait3A_14 : memref<640xf32, #tpu.memory_space<vmem_shared>>) dst(%dma_wait3A : memref<640xf32, #tpu.memory_space<hbm>>)
      tpu.yield
    }) : () -> ()
    return
  }
}

module attributes {stable_mosaic.version = 14 : i64} {
  func.func @_scale_body(%arg0: memref<10240x2xf32, #tpu.memory_space<vmem>>, %arg1: memref<10000x128xf32, #tpu.memory_space<vmem>>, %arg2: memref<10000x128xf32, #tpu.memory_space<vmem>>) attributes {dimension_semantics = [], scalar_prefetch = 0 : i64, scratch_operands = 0 : i64, tpu.core_type = #tpu.core_type<tc>} {
    %get3A = arith.constant 0 : index
    %get3A_0 = arith.constant 0 : index
    %get3A_1 = vector.load %arg0[%get3A, %get3A_0] : memref<10240x2xf32, #tpu.memory_space<vmem>>, vector<10000x1xf32>
    %get3A_2 = arith.constant 0 : index
    %get3A_3 = arith.constant 1 : index
    %get3A_4 = vector.load %arg0[%get3A_2, %get3A_3] : memref<10240x2xf32, #tpu.memory_space<vmem>>, vector<10000x1xf32>
    %add3A = arith.addf %get3A_1, %get3A_4 : vector<10000x1xf32>
    %add3A_5 = arith.constant 1.000000e+00 : f32
    %add3A_6 = vector.broadcast %add3A_5 : f32 to vector<10000x1xf32>
    %add3A_7 = arith.addf %add3A, %add3A_6 : vector<10000x1xf32>
    %rsqrt3A = math.rsqrt %add3A_7 : vector<10000x1xf32>
    %get3A_8 = arith.constant 0 : index
    %get3A_9 = arith.constant 0 : index
    %get3A_10 = vector.load %arg1[%get3A_8, %get3A_9] : memref<10000x128xf32, #tpu.memory_space<vmem>>, vector<10000x128xf32>
    %mul3A = vector.broadcast %rsqrt3A : vector<10000x1xf32> to vector<10000x128xf32>
    %mul3A_11 = arith.mulf %get3A_10, %mul3A : vector<10000x128xf32>
    %swap3A = arith.constant 0 : index
    %swap3A_12 = arith.constant 0 : index
    %swap3A_13 = vector.load %arg2[%swap3A, %swap3A_12] : memref<10000x128xf32, #tpu.memory_space<vmem>>, vector<10000x128xf32>
    tpu.vector_store %arg2[%swap3A, %swap3A_12], %mul3A_11 {strides = array<i32>} : memref<10000x128xf32, #tpu.memory_space<vmem>>, vector<10000x128xf32>,
    return
  }
}

module attributes {stable_mosaic.version = 14 : i64} {
  func.func @_dense_body(%arg0: memref<10000x128xf32, #tpu.memory_space<vmem>>, %arg1: memref<2x10240x128xf32, #tpu.memory_space<vmem>>, %arg2: memref<10240x2xf32, #tpu.memory_space<vmem>>, %arg3: memref<128x128xf32, #tpu.memory_space<vmem>>, %arg4: memref<1x128xf32, #tpu.memory_space<vmem>>, %arg5: memref<1x128xf32, #tpu.memory_space<vmem>>, %arg6: memref<1x128xf32, #tpu.memory_space<vmem>>, %arg7: memref<1x128xf32, #tpu.memory_space<vmem>>, %arg8: memref<128x128xf32, #tpu.memory_space<vmem>>, %arg9: memref<1x128xf32, #tpu.memory_space<vmem>>, %arg10: memref<128x128xf32, #tpu.memory_space<vmem>>, %arg11: memref<1x128xf32, #tpu.memory_space<vmem>>, %arg12: memref<10000x128xf32, #tpu.memory_space<vmem>>) attributes {dimension_semantics = [], scalar_prefetch = 0 : i64, scratch_operands = 0 : i64, tpu.core_type = #tpu.core_type<tc>} {
    %get3A = arith.constant 0 : index
    %get3A_0 = arith.constant 0 : index
    %get3A_1 = vector.load %arg2[%get3A, %get3A_0] : memref<10240x2xf32, #tpu.memory_space<vmem>>, vector<10000x1xf32>
    %get3A_2 = arith.constant 0 : index
    %get3A_3 = arith.constant 1 : index
    %get3A_4 = vector.load %arg2[%get3A_2, %get3A_3] : memref<10240x2xf32, #tpu.memory_space<vmem>>, vector<10000x1xf32>
    %add3A = arith.addf %get3A_1, %get3A_4 : vector<10000x1xf32>
    %add3A_5 = arith.constant 1.000000e+00 : f32
    %add3A_6 = vector.broadcast %add3A_5 : f32 to vector<10000x1xf32>
    %add3A_7 = arith.addf %add3A, %add3A_6 : vector<10000x1xf32>
    %rsqrt3A = math.rsqrt %add3A_7 : vector<10000x1xf32>
    %get3A_8 = arith.constant 0 : index
    %get3A_9 = arith.constant 0 : index
    %get3A_10 = arith.constant 0 : index
    %get3A_11 = vector.load %arg1[%get3A_8, %get3A_9, %get3A_10] : memref<2x10240x128xf32, #tpu.memory_space<vmem>>, vector<1x10000x128xf32>
    %get3A_12 = vector.shape_cast %get3A_11 : vector<1x10000x128xf32> to vector<10000x128xf32>
    %get3A_13 = arith.constant 1 : index
    %get3A_14 = arith.constant 0 : index
    %get3A_15 = arith.constant 0 : index
    %get3A_16 = vector.load %arg1[%get3A_13, %get3A_14, %get3A_15] : memref<2x10240x128xf32, #tpu.memory_space<vmem>>, vector<1x10000x128xf32>
    %get3A_17 = vector.shape_cast %get3A_16 : vector<1x10000x128xf32> to vector<10000x128xf32>
    %add3A_18 = arith.addf %get3A_12, %get3A_17 : vector<10000x128xf32>
    %mul3A = vector.broadcast %rsqrt3A : vector<10000x1xf32> to vector<10000x128xf32>
    %mul3A_19 = arith.mulf %mul3A, %add3A_18 : vector<10000x128xf32>
    %mul3A_20 = arith.mulf %rsqrt3A, %rsqrt3A : vector<10000x1xf32>
    %get3A_21 = arith.constant 0 : index
    %get3A_22 = arith.constant 0 : index
    %get3A_23 = vector.load %arg0[%get3A_21, %get3A_22] : memref<10000x128xf32, #tpu.memory_space<vmem>>, vector<10000x128xf32>
    %mul3A_24 = vector.broadcast %mul3A_20 : vector<10000x1xf32> to vector<10000x128xf32>
    %mul3A_25 = arith.mulf %mul3A_24, %get3A_23 : vector<10000x128xf32>
    %add3A_26 = arith.addf %mul3A_19, %mul3A_25 : vector<10000x128xf32>
    %get3A_27 = arith.constant 0 : index
    %get3A_28 = arith.constant 0 : index
    %get3A_29 = vector.load %arg3[%get3A_27, %get3A_28] : memref<128x128xf32, #tpu.memory_space<vmem>>, vector<128x128xf32>
    %dot_general3A = arith.constant dense<0.000000e+00> : vector<10000x128xf32>
    %dot_general3A_30 = tpu.matmul %add3A_26, %get3A_29, %dot_general3A {dimension_numbers = #tpu.dot_dimension_numbers<[1], [0], [0], [1], [0, 0, 1, 1], [], []>, transpose_lhs_hint = false} : vector<10000x128xf32>, vector<128x128xf32>, vector<10000x128xf32> -> vector<10000x128xf32>
    %get3A_31 = arith.constant 0 : index
    %get3A_32 = arith.constant 0 : index
    %get3A_33 = vector.load %arg4[%get3A_31, %get3A_32] : memref<1x128xf32, #tpu.memory_space<vmem>>, vector<1x128xf32>
    %add3A_34 = vector.broadcast %get3A_33 : vector<1x128xf32> to vector<10000x128xf32>
    %add3A_35 = arith.addf %dot_general3A_30, %add3A_34 : vector<10000x128xf32>
    %reduce_sum3A = arith.constant dense<0.000000e+00> : vector<128xf32>
    %reduce_sum3A_36 = vector.multi_reduction <add>, %add3A_35, %reduce_sum3A [0] : vector<10000x128xf32> to vector<128xf32>
    %broadcast_in_dim3A = vector.shape_cast %reduce_sum3A_36 : vector<128xf32> to vector<1x128xf32>
    %div3A = arith.constant 1.000000e+04 : f32
    %div3A_37 = vector.broadcast %div3A : f32 to vector<1x128xf32>
    %div3A_38 = arith.divf %broadcast_in_dim3A, %div3A_37 : vector<1x128xf32>
    %get3A_39 = arith.constant 0 : index
    %get3A_40 = arith.constant 0 : index
    %get3A_41 = vector.load %arg7[%get3A_39, %get3A_40] : memref<1x128xf32, #tpu.memory_space<vmem>>, vector<1x128xf32>
    %mul3A_42 = arith.mulf %get3A_41, %div3A_38 : vector<1x128xf32>
    %sub3A = vector.broadcast %mul3A_42 : vector<1x128xf32> to vector<10000x128xf32>
    %sub3A_43 = arith.subf %add3A_35, %sub3A : vector<10000x128xf32>
    %mul3A_44 = arith.mulf %sub3A_43, %sub3A_43 : vector<10000x128xf32>
    %reduce_sum3A_45 = arith.constant dense<0.000000e+00> : vector<128xf32>
    %reduce_sum3A_46 = vector.multi_reduction <add>, %mul3A_44, %reduce_sum3A_45 [0] : vector<10000x128xf32> to vector<128xf32>
    %broadcast_in_dim3A_47 = vector.shape_cast %reduce_sum3A_46 : vector<128xf32> to vector<1x128xf32>
    %div3A_48 = arith.constant 1.000000e+04 : f32
    %div3A_49 = vector.broadcast %div3A_48 : f32 to vector<1x128xf32>
    %div3A_50 = arith.divf %broadcast_in_dim3A_47, %div3A_49 : vector<1x128xf32>
    %add3A_51 = arith.constant 9.99999974E-6 : f32
    %add3A_52 = vector.broadcast %add3A_51 : f32 to vector<1x128xf32>
    %add3A_53 = arith.addf %div3A_50, %add3A_52 : vector<1x128xf32>
    %rsqrt3A_54 = math.rsqrt %add3A_53 : vector<1x128xf32>
    %mul3A_55 = vector.broadcast %rsqrt3A_54 : vector<1x128xf32> to vector<10000x128xf32>
    %mul3A_56 = arith.mulf %sub3A_43, %mul3A_55 : vector<10000x128xf32>
    %get3A_57 = arith.constant 0 : index
    %get3A_58 = arith.constant 0 : index
    %get3A_59 = vector.load %arg5[%get3A_57, %get3A_58] : memref<1x128xf32, #tpu.memory_space<vmem>>, vector<1x128xf32>
    %mul3A_60 = vector.broadcast %get3A_59 : vector<1x128xf32> to vector<10000x128xf32>
    %mul3A_61 = arith.mulf %mul3A_56, %mul3A_60 : vector<10000x128xf32>
    %get3A_62 = arith.constant 0 : index
    %get3A_63 = arith.constant 0 : index
    %get3A_64 = vector.load %arg6[%get3A_62, %get3A_63] : memref<1x128xf32, #tpu.memory_space<vmem>>, vector<1x128xf32>
    %add3A_65 = vector.broadcast %get3A_64 : vector<1x128xf32> to vector<10000x128xf32>
    %add3A_66 = arith.addf %mul3A_61, %add3A_65 : vector<10000x128xf32>
    %max3A = arith.constant 0.000000e+00 : f32
    %max3A_67 = vector.broadcast %max3A : f32 to vector<10000x128xf32>
    %max3A_68 = arith.maximumf %add3A_66, %max3A_67 : vector<10000x128xf32>
    %get3A_69 = arith.constant 0 : index
    %get3A_70 = arith.constant 0 : index
    %get3A_71 = vector.load %arg8[%get3A_69, %get3A_70] : memref<128x128xf32, #tpu.memory_space<vmem>>, vector<128x128xf32>
    %dot_general3A_72 = arith.constant dense<0.000000e+00> : vector<10000x128xf32>
    %dot_general3A_73 = tpu.matmul %max3A_68, %get3A_71, %dot_general3A_72 {dimension_numbers = #tpu.dot_dimension_numbers<[1], [0], [0], [1], [0, 0, 1, 1], [], []>, transpose_lhs_hint = false} : vector<10000x128xf32>, vector<128x128xf32>, vector<10000x128xf32> -> vector<10000x128xf32>
    %get3A_74 = arith.constant 0 : index
    %get3A_75 = arith.constant 0 : index
    %get3A_76 = vector.load %arg9[%get3A_74, %get3A_75] : memref<1x128xf32, #tpu.memory_space<vmem>>, vector<1x128xf32>
    %add3A_77 = vector.broadcast %get3A_76 : vector<1x128xf32> to vector<10000x128xf32>
    %add3A_78 = arith.addf %dot_general3A_73, %add3A_77 : vector<10000x128xf32>
    %max3A_79 = arith.constant 0.000000e+00 : f32
    %max3A_80 = vector.broadcast %max3A_79 : f32 to vector<10000x128xf32>
    %max3A_81 = arith.maximumf %add3A_78, %max3A_80 : vector<10000x128xf32>
    %get3A_82 = arith.constant 0 : index
    %get3A_83 = arith.constant 0 : index
    %get3A_84 = vector.load %arg10[%get3A_82, %get3A_83] : memref<128x128xf32, #tpu.memory_space<vmem>>, vector<128x128xf32>
    %dot_general3A_85 = arith.constant dense<0.000000e+00> : vector<10000x128xf32>
    %dot_general3A_86 = tpu.matmul %max3A_81, %get3A_84, %dot_general3A_85 {dimension_numbers = #tpu.dot_dimension_numbers<[1], [0], [0], [1], [0, 0, 1, 1], [], []>, transpose_lhs_hint = false} : vector<10000x128xf32>, vector<128x128xf32>, vector<10000x128xf32> -> vector<10000x128xf32>
    %get3A_87 = arith.constant 0 : index
    %get3A_88 = arith.constant 0 : index
    %get3A_89 = vector.load %arg11[%get3A_87, %get3A_88] : memref<1x128xf32, #tpu.memory_space<vmem>>, vector<1x128xf32>
    %add3A_90 = vector.broadcast %get3A_89 : vector<1x128xf32> to vector<10000x128xf32>
    %add3A_91 = arith.addf %dot_general3A_86, %add3A_90 : vector<10000x128xf32>
    %swap3A = arith.constant 0 : index
    %swap3A_92 = arith.constant 0 : index
    %swap3A_93 = vector.load %arg12[%swap3A, %swap3A_92] : memref<10000x128xf32, #tpu.memory_space<vmem>>, vector<10000x128xf32>
    tpu.vector_store %arg12[%swap3A, %swap3A_92], %add3A_91 {strides = array<i32>} : memref<10000x128xf32, #tpu.memory_space<vmem>>, vector<10000x128xf32>,
    return
  }
}

</mosaic_0001>

<sc_bundles>
// kernel: kernel.6.cloned.1.call-start
scs
__scs_entry_jumppad:
0x0: {  	(pc) =	sbr.rel $0x88, $3  }
0x1: {  	(tag) =	ssettag $0x0;
	lr =	simm.s32 $0x1  }
0x2: {  	[smem:$0x3F96] =	sst lr;
	_ =	strace $0xD0000000  }
0x3: {  	_ = 	snop  }
0x4: {  	_ = 	snop  }
0x5: {  	_ = 	snop  }
0x6: {  	_ = 	snop  }
0x7: {  	_ = 	snop  }
__scs_overlays_trampoline_lowered:
0x8: {  	[smem:$0x3FA5] =	sst s0  }
0x9: {  	[smem:$0x3FA6] =	sst s1  }
0xa: {  	[smem:$0x3FA7] =	sst s2  }
0xb: {  	[smem:$0x3FA8] =	sst s3  }
0xc: {  	[smem:$0x3FA9] =	sst s4  }
0xd: {  	[smem:$0x3FAA] =	sst s5  }
0xe: {  	[smem:$0x3FAB] =	sst s6  }
0xf: {  	[smem:$0x3FAC] =	sst s7  }
0x10: {  	[smem:$0x3FAD] =	sst s8  }
0x11: {  	[smem:$0x3FAE] =	sst s9;
	s0 =	simm.s32 @!p0 $0x0  }
0x12: {  	s1 =	sld [smem:$0x3F94];
	s0 =	simm.s32 @p0 $0x1  }
0x13: {  	[smem:$0x3FAF] =	sst s0;
	s0 =	simm.s32 @!p1 $0x0  }
0x14: {  	s2 =	sld [smem:$0x3F93];
	s0 =	simm.s32 @p1 $0x1  }
0x15: {  	[smem:$0x3FB0] =	sst s0;
	s0 =	simm.s32 @!p2 $0x0  }
0x16: {  	s3 =	sld [smem:$0x3FDB];
	s0 =	simm.s32 @p2 $0x1  }
0x17: {  	s4 =	simm.s32 $0x1BF5;
	[smem:$0x3FB2] =	sst s0  }
0x18: {  	s0 =	sld [smem:$0x3F95];
	_ =	swait.ge [sflag:s4], $0x0  }
0x19: {  	s7 =	sld [smem:$0x3F96]  }
0x1a: {  	s8 =	sadd.s32 $0xFFFFE003, lr  }
0x1b: {  	s9 =	sadd.s32 $0xFFFFFEF7, lr;
	s5 =	simm.s32 $0xFFFFFFFF;
	p2 =	slt.u32 s8, $0xFFFFF086  }
0x1c: {  	p1 =	slt.u32 s9, $0xF7A;
	s5 =	simm.s32 @!p2 $0x0  }
0x1d: {  	s5 =	simm.s32 @p1 $0x1;
	p0 =	seq.s32 s7, s2  }
0x1e: {  	s7 =	smul.u32 @!p0 $0xF7A, s2;
	p2 =	seq.s32 @!p0 s5, $0x0  }
0x1f: {  	s9 =	smul.u32 $0xF7A, s1;
	s8 =	simm.s32 @!p0 $0x1BF5;
	p2 =	por !p2, p0  }
0x20: {  	[sflag:s8] =	ssyncset.s32 @!p0 $0xFFFFF086;
	s6 =	sadd.s32 @!p0 s3, s7;
	s7 =	simm.s32 @!p0 $0x108  }
0x21: {  	s3 =	sadd.s32 s3, s9;
	s6 =	sadd.s32 @!p0 $0x88, s6;
	s7 =	simm.s32 @p2 $0x1082  }
0x22: {  	[simem:s7], [sflag:s8] =	dma.local @!p0 [hbm:s6], $0xF7A  }
0x23: {  	s9 =	sor.u32 $0xD0000000, s2;
	s6 =	simm.s32 $0x108;
	_ =	swait.ge @!p0 [sflag:s8], $0x0  }
0x24: {  	s3 =	sadd.s32 $0x88, s3;
	s6 =	simm.s32 @!p1 $0x1082;
	[sflag:s4] =	ssyncset.s32 $0xFFFFF086  }
0x25: {  	[simem:s6], [sflag:s4] =	dma.local [hbm:s3], $0xF7A  }
0x26: {  	[smem:$0x3F96] =	sst s1;
	(tag) =	ssettag s2;
	_ =	strace s9  }
0x27: {  	s1 =	sld [smem:$0x3FA6]  }
0x28: {  	s2 =	sld [smem:$0x3FA7]  }
0x29: {  	s4 =	sld [smem:$0x3FA9]  }
0x2a: {  	p0 =	seq.s32 s5, $0x0;
	s5 =	sld [smem:$0x3FAA]  }
0x2b: {  	s6 =	sld [smem:$0x3FAB]  }
0x2c: {  	s7 =	sld [smem:$0x3FAC]  }
0x2d: {  	s3 =	simm.s32 $0x108;
	s8 =	sld [smem:$0x3FAD]  }
0x2e: {  	s3 =	simm.s32 @!p0 $0x1082;
	s9 =	sld [smem:$0x3FAE]  }
0x2f: {  	lr =	sadd.s32 s0, s3;
	s0 =	sld [smem:$0x3FA5]  }
0x30: {  	s3 =	sld [smem:$0x3FA8]  }
0x31: {  	[smem:$0x3FB1] =	sst s10  }
0x32: {  	s10 =	sld [smem:$0x3FAF];
	_ =	sdelay $0x3  }
0x33: {  	p0 =	seq.s32 s10, $0x1;
	s10 =	sld [smem:$0x3FB1];
	_ =	sdelay $0x3  }
0x34: {  	[smem:$0x3FB1] =	sst s10  }
0x35: {  	s10 =	sld [smem:$0x3FB0];
	_ =	sdelay $0x3  }
0x36: {  	p1 =	seq.s32 s10, $0x1;
	s10 =	sld [smem:$0x3FB1];
	_ =	sdelay $0x3  }
0x37: {  	[smem:$0x3FB1] =	sst s10  }
0x38: {  	s10 =	sld [smem:$0x3FB2]  }
0x39: {  	_ = 	snop;
	(pc) =	sbr.ind lr, $3  }
0x3a: {  	_ = 	snop  }
0x3b: {  	_ = 	snop  }
0x3c: {  	p2 =	seq.s32 s10, $0x1;
	s10 =	sld [smem:$0x3FB1]  }
0x3d: {  	_ =	shalt  }
0x3e: {  	_ =	shalt  }
0x3f: {  	_ =	shalt  }
0x40: {  	_ =	shalt  }
0x41: {  	_ =	shalt  }
0x42: {  	_ =	shalt  }
0x43: {  	_ =	shalt  }
0x44: {  	_ =	shalt  }
0x45: {  	_ =	shalt  }
0x46: {  	_ =	shalt  }
0x47: {  	_ =	shalt  }
0x48: {  	_ =	shalt  }
0x49: {  	_ =	shalt  }
0x4a: {  	_ =	shalt  }
0x4b: {  	_ =	shalt  }
0x4c: {  	_ =	shalt  }
0x4d: {  	_ =	shalt  }
0x4e: {  	_ =	shalt  }
0x4f: {  	_ =	shalt  }
0x50: {  	_ =	shalt  }
0x51: {  	_ =	shalt  }
0x52: {  	_ =	shalt  }
0x53: {  	_ =	shalt  }
0x54: {  	_ =	shalt  }
0x55: {  	_ =	shalt  }
0x56: {  	_ =	shalt  }
0x57: {  	_ =	shalt  }
0x58: {  	_ =	shalt  }
0x59: {  	_ =	shalt  }
0x5a: {  	_ =	shalt  }
0x5b: {  	_ =	shalt  }
0x5c: {  	_ =	shalt  }
0x5d: {  	_ =	shalt  }
0x5e: {  	_ =	shalt  }
0x5f: {  	_ =	shalt  }
0x60: {  	_ =	shalt  }
0x61: {  	_ =	shalt  }
0x62: {  	_ =	shalt  }
0x63: {  	_ =	shalt  }
0x64: {  	_ =	shalt  }
0x65: {  	_ =	shalt  }
0x66: {  	_ =	shalt  }
0x67: {  	_ =	shalt  }
0x68: {  	_ =	shalt  }
0x69: {  	_ =	shalt  }
0x6a: {  	_ =	shalt  }
0x6b: {  	_ =	shalt  }
0x6c: {  	_ =	shalt  }
0x6d: {  	_ =	shalt  }
0x6e: {  	_ =	shalt  }
0x6f: {  	_ =	shalt  }
0x70: {  	_ =	shalt  }
0x71: {  	_ =	shalt  }
0x72: {  	_ =	shalt  }
0x73: {  	_ =	shalt  }
0x74: {  	_ =	shalt  }
0x75: {  	_ =	shalt  }
0x76: {  	_ =	shalt  }
0x77: {  	_ =	shalt  }
0x78: {  	_ =	shalt  }
0x79: {  	_ =	shalt  }
0x7a: {  	_ =	shalt  }
0x7b: {  	_ =	shalt  }
0x7c: {  	_ =	shalt  }
0x7d: {  	_ =	shalt  }
0x7e: {  	_ =	shalt  }
0x7f: {  	_ =	shalt  }
0x80: {  	_ =	shalt  }
0x81: {  	_ =	shalt  }
0x82: {  	_ =	shalt  }
0x83: {  	_ =	shalt  }
0x84: {  	_ =	shalt  }
0x85: {  	_ =	shalt  }
0x86: {  	_ =	shalt  }
0x87: {  	_ =	shalt  }
.Lfunc_end0:
.L_simem_size_0:
called_computation_lowered:
.L_overlay_start_0:
0x88: {  	s2 =	sld [smem:$0x3FD9]  }
0x89: {  	s3 =	sld [smem:$0x3FFE];
	_ =	sdelay $0x1  }
0x8a: {  	s1 =	srdreg.scid  }
0x8b: {  	s0 =	sand.u32 $0x1, s1  }
0x8c: {  	s17 =	sshll.u32 s0, $0xA;
	s2 =	sadd.s32 s3, s2  }
0x8d: {  	s2 =	sadd.s32 s2, s17  }
0x8e: {  	[smem:$0x3FBD] =	sst s2  }
0x8f: {  	_ = 	snop  }
0x90: {  	s2 =	sld [smem:$0x3FD0];
	(tm) =	ssettm $0x1  }
0x91: {  	s18 =	sld [smem:$0x3FFB];
	_ =	sdelay $0x3  }
0x92: {  	_ =	strace s18  }
0x93: {  	s3 =	sld [smem:$0x3FFC];
	_ =	sdelay $0x3  }
0x94: {  	_ =	strace s3  }
0x95: {  	s3 =	sld [smem:$0x3FFD];
	_ =	sdelay $0x3  }
0x96: {  	_ =	strace s3  }
0x97: {  	_ =	strace $0x8FFFFFFF  }
0x98: {  	s19 =	sld [smem:$0x3FDB];
	_ =	sdelay $0x1  }
0x99: {  	s4 =	simm.s32 $_scs_section_size  }
0x9a: {  	s5 =	simm.s32 $_size__tile_overlayer_lowered;
	s6 =	simm.s32 $_tile_overlayer_lowered  }
0x9b: {  	s22 =	simm.s32 $0x1BFF;
	s21 =	sshll.u32 s6, $0x1;
	s3 =	sadd.s32 s4, s19  }
0x9c: {  	s7 =	simm.s32 $0x0;
	s20 =	sshll.u32 s5, $0x1;
	s5 =	sadd.s32 s21, s3  }
0x9d: {  	[timem:s7], [sflag:s22] =	dma.local [hbm:s5], s20  }
0x9e: {  	_ =	swait.ge [sflag:s22], s20  }
0x9f: {  	s4 =	ssub.s32 $0x0, s20;
	[sflag:s22] =	ssyncset.done $0x0  }
0xa0: {  	[sflag:s22] =	ssyncadd.s32 s4;
	_ =	sdelay $0x1  }
0xa1: {  	s23 =	simm.s32 $0x1B8B  }
0xa2: {  	_ =	swait.ge [sflag:s23], $0x1  }
0xa3: {  	[sflag:s23] =	ssyncset.done $0x0  }
0xa4: {  	s25 =	simm.s32 $0x1B8E;
	s24 =	sld [smem:$0x3FFE];
	[sflag:s23] =	ssyncadd.s32 $0xFFFFFFFF  }
0xa5: {  	s26 =	simm.s32 $execute0_lowered;
	[smem:$0x3FD2] =	sst s25  }
0xa6: {  	s5 =	sshll.u32 s26, $0x1;
	_ =	strace $0x80000046;
	[dreg:$0x1] =	wrdreg $0xFFFFFFFF  }
0xa7: {  	s28 =	simm.s32 $_size_execute0_lowered;
	s3 =	sadd.s32 s3, s5;
	[dreg:$0x0] =	wrdreg $0x0  }
0xa8: {  	s5 =	sshll.u32 s28, $0x1;
	[dreg:$0x2] =	wrdreg s3  }
0xa9: {  	[dreg:$0x3] =	wrdreg s5  }
0xaa: {  	[dreg:$0x4] =	wrdreg $0xC0  }
0xab: {  	_ =	task [dreg:s7], $0x5FFFF  }
0xac: {  	[dreg:$0x1] =	wrdreg $0xFFFFFFFF  }
0xad: {  	[dreg:$0x0] =	wrdreg $0x60  }
0xae: {  	[dreg:$0x2] =	wrdreg s24  }
0xaf: {  	[dreg:$0x3] =	wrdreg s2  }
0xb0: {  	[dreg:$0x4] =	wrdreg $0x40800  }
0xb1: {  	[dreg:$0x5] =	wrdreg $0x9  }
0xb2: {  	_ =	task.clear_ibuf [dreg:s7], $0x6FFFF;
	_ =	strace $0x90000046  }
0xb3: {  	s29 =	simm.s32 $0x9;
	_ =	strace $0x80000048  }
0xb4: {  	_ =	swait.ge [sflag:s29], $0x1  }
0xb5: {  	[sflag:s29] =	ssyncadd.s32 $0xFFFFFFFF  }
0xb6: {  	_ =	strace $0x90000048  }
0xb7: {  	_ =	sfence  }
0xb8: {  	s30 =	sld [smem:$0x0];
	_ =	sdelay $0x2  }
0xb9: {  	s31 =	sshll.u32 s1, $0xD;
	s1 =	sshrl.u32 s1, $0x2  }
0xba: {  	s3 =	sand.u32 $0x4000, s31;
	s1 =	sadd.s32 s1, s30  }
0xbb: {  	s0 =	sor.u32 s3, s0;
	s1 =	sshll.u32 s1, $0x11  }
0xbc: {  	s0 =	sor.u32 s1, s0  }
0xbd: {  	s0 =	sadd.s32 $0x8F2B, s0  }
0xbe: {  	[sflag:s0] =	ssyncadd.remote.s32 $0x1  }
0xbf: {  	_ =	sfence.sel $0xFFFF  }
0xc0: {  	[dreg:$0x0] =	wrdreg $0xFFFFFFFF;
	(pc) =	sbr.abs _section_cstart, $3  }
0xc1: {  	[dreg:$0x1] =	wrdreg $0xFFFFFFFF  }
0xc2: {  	_ =	task.clear_ibuf [dreg:s7], $0x2FFFF;
	_ =	strace $0x9FFFFFFF  }
0xc3: {  	(tm) =	ssettm $0x7FFFFFFF  }
tec
execute0_lowered:
.L_overlay_start_1:
0x0: {  	(tag) =	ssettag $0x1  }
0x1: {  	s5 =	rddreg [dreg:$0x0]  }
0x2: {  	s8 =	rddreg [dreg:$0x1]  }
0x3: {  	s1 =	rddreg [dreg:$0x2]  }
0x4: {  	s0 =	rddreg [dreg:$0x3]  }
0x5: {  	s3 =	simm.s32 $0x0;
	s4 =	srdreg.scid;
	s2 =	stileid.u32  }
0x6: {  	s14 =	simm.s32 $0x0;
	[smem:$0x7FF] =	sst s3;
	s6 =	sand.u32 $0x1, s4  }
0x7: {  	s29 =	sshll.u32 s2, $0xB;
	s9 =	smul.u32 $0x280, s2;
	s4 =	sadd.s32 $0x12000, s5  }
0x8: {  	s31 =	sshll.u32 s2, $0x6;
	_ =	strace $0x80000047;
	s7 =	ssub.s32 $0x2, s6  }
0x9: {  	s10 =	sadd.s32 s29, s5;
	s12 =	smul.u32 $0x2800, s6;
	s5 =	sadd.s32 $0x11E00, s5  }
0xa: {  	s6 =	sshll.u32 s6, $0xF;
	s11 =	sshrl.u32 s7, $0x1;
	s13 =	sadd.s32 s9, s1  }
0xb: {  	s10 =	sadd.s32 s6, s10;
	s6 =	sor.u32 $0x1C01, s31;
	s11 =	ssub.s32 s7, s11  }
0xc: {  	s30 =	sadd.s32 s9, s12;
	s7 =	sadd.s32 $0x1E00, s10;
	s10 =	sshrl.u32 s13, $0x3  }
0xd: {  	s13 =	simm.s32 $0x50;
	s12 =	sshrl.u32 s30, $0x3;
	s9 =	smax.u32 s11, $0x1  }
0xe: {  	s11 =	simm.s32 $0x1;
	s8 =	sadd.s32 s8, s12;
	s12 =	simm.s32 $0x4000  }
.LBB2_1:
0xf: {  	[spmem:s10], [sflag:s6] =	dma.local [hbm:s4], $0x50  }
0x10: {  	_ =	swait.ge [sflag:s11], $0x50  }
0x11: {  	[sflag:s11] =	ssyncset.done $0x0  }
0x12: {  	[sflag:s11] =	ssyncadd.s32 $0xFFFFFFB0  }
0x13: {  	[tilespmem:s12], [sflag:$0x1] =	stream.linear.gather [hbm4b:s5+s3], $0x80, $0x38;
	[tilespmem:$0x4300] =	vst v63  }
0x14: {  	_ =	swait.ge [sflag:s11], $0x80  }
0x15: {  	[sflag:s11] =	ssyncset.done $0x0  }
0x16: {  	[sflag:s11] =	ssyncadd.s32 $0xFFFFFF80  }
0x17: {  	[tilespmem:s3], [sflag:$0x1] =	stream.linear.gather [hbm4b:s7+s3], $0x3E80, $0x38;
	[tilespmem:$0x4300] =	vst v63  }
0x18: {  	_ =	swait.ge [sflag:s11], $0x3E80  }
0x19: {  	[sflag:s11] =	ssyncset.done $0x0  }
0x1a: {  	[sflag:s11] =	ssyncadd.s32 $0xFFFFC180  }
0x1b: {  	s15 =	simm.s32 $0x0;
	[bflag:$0x0] =	sbarrier.arrive $0xFFFF  }
0x1c: {  	[spmem:s1] =	stream.indirect.scatter.add.f32 [tilespmem:s12], [sflag:$0x1], $0x1, s15, s13, $0xb8;
	[tilespmem:$0x4300] =	vst v63  }
0x1d: {  	_ =	swait.ge [sflag:s11], $0x50  }
0x1e: {  	s15 =	simm.s32 $0x200;
	[sflag:s11] =	ssyncset.done $0x0  }
.LBB2_2:
0x1f: {  	s16 =	sshra.s32 s15, $0x2;
	[sflag:s11] =	ssyncadd.s32 $0xFFFFFFB0;
	p0 =	sne.s32 s15, $0xF800  }
0x20: {  	[spmem:s1] =	stream.indirect.scatter.add.f32 [tilespmem:s12], [sflag:$0x1], $0x1, s16, s13, $0xb8;
	[tilespmem:$0x4300] =	vst v63  }
.Ltmp0:
0x21: {  	_ = 	snop;
	(pc) =	sbr.rel @p0 .LBB2_2-.Ltmp0, $4  }
0x22: {  	_ = 	snop  }
0x23: {  	s15 =	sadd.s32 $0x200, s15  }
0x24: {  	_ =	swait.ge [sflag:s11], $0x50  }
0x25: {  	[sflag:s11] =	ssyncset.done $0x0  }
0x26: {  	s14 =	sadd.s32 $0x1, s14  }
0x27: {  	[sflag:s11] =	ssyncadd.s32 $0xFFFFFFB0;
	p0 =	sne.s32 s14, s9  }
.Ltmp1:
0x28: {  	[bflag:$0x0] =	sbarrier.arrive $0xFFFF;
	(pc) =	sbr.rel @p0 .LBB2_1-.Ltmp1, $4  }
0x29: {  	[hbm:s8], [sflag:s6] =	dma.local [spmem:s10], $0x50  }
0x2a: {  	_ =	swait.ge [sflag:s11], $0x50  }
0x2b: {  	[sflag:s11] =	ssyncset.done $0x0  }
0x2c: {  	[sflag:s11] =	ssyncadd.s32 $0xFFFFFFB0  }
0x2d: {  	_ =	sfence.sel $0x180000  }
0x2e: {  	[bflag:$0x0] =	sbarrier.arrive $0xFFFF  }
0x2f: {  	p0 =	sne.s32 s2, $0x0;
	_ =	strace $0x90000047  }
0x30: {  	s0 =	sadd.s32 @!p0 $0x100000, s0;
	[bflag:$0x2] =	sbarrier.arrive $0xFFFF  }
0x31: {  	[sflag:s0] =	ssyncadd.tile.s32 @!p0 $0x1;
	_ =	shalt  }
.Lfunc_end2:
_tile_overlayer_lowered:
.L_overlay_start_2:
0x32: {  	(tag) =	ssettag $0x2  }
0x33: {  	s0 =	rddreg [dreg:$0x0];
	s2 =	stileid.u32  }
0x34: {  	s1 =	rddreg [dreg:$0x1];
	p0 =	sne.s32 s2, $0x0  }
0x35: {  	s3 =	rddreg [dreg:$0x2];
	[bflag:$0x3] =	sbarrier.arrive $0xFFFF;
	s2 =	simm.s32 @!p0 $0x1C01  }
0x36: {  	[timem:s3], [sflag:s2] =	dma.local @!p0 [hbm:s0], s1  }
0x37: {  	s0 =	simm.s32 @!p0 $0x1  }
0x38: {  	_ =	swait.ge @!p0 [sflag:s0], s1  }
0x39: {  	s1 =	ssub.s32 @!p0 $0x0, s1;
	[sflag:s0] =	ssyncset.done @!p0 $0x0  }
0x3a: {  	[sflag:s0] =	ssyncadd.s32 @!p0 s1  }
0x3b: {  	[bflag:$0x3] =	sbarrier.arrive $0xFFFF  }
0x3c: {  	_ =	shalt  }

// kernel: kernel.9.cloned.1.call-start
scs
__scs_entry_jumppad:
0x0: {  	(pc) =	sbr.rel $0x88, $3  }
0x1: {  	(tag) =	ssettag $0x0;
	lr =	simm.s32 $0x1  }
0x2: {  	[smem:$0x3F96] =	sst lr;
	_ =	strace $0xD0000000  }
0x3: {  	_ = 	snop  }
0x4: {  	_ = 	snop  }
0x5: {  	_ = 	snop  }
0x6: {  	_ = 	snop  }
0x7: {  	_ = 	snop  }
__scs_overlays_trampoline_lowered:
0x8: {  	[smem:$0x3FA5] =	sst s0  }
0x9: {  	[smem:$0x3FA6] =	sst s1  }
0xa: {  	[smem:$0x3FA7] =	sst s2  }
0xb: {  	[smem:$0x3FA8] =	sst s3  }
0xc: {  	[smem:$0x3FA9] =	sst s4  }
0xd: {  	[smem:$0x3FAA] =	sst s5  }
0xe: {  	[smem:$0x3FAB] =	sst s6  }
0xf: {  	[smem:$0x3FAC] =	sst s7  }
0x10: {  	[smem:$0x3FAD] =	sst s8  }
0x11: {  	[smem:$0x3FAE] =	sst s9;
	s0 =	simm.s32 @!p0 $0x0  }
0x12: {  	s1 =	sld [smem:$0x3F94];
	s0 =	simm.s32 @p0 $0x1  }
0x13: {  	[smem:$0x3FAF] =	sst s0;
	s0 =	simm.s32 @!p1 $0x0  }
0x14: {  	s2 =	sld [smem:$0x3F93];
	s0 =	simm.s32 @p1 $0x1  }
0x15: {  	[smem:$0x3FB0] =	sst s0;
	s0 =	simm.s32 @!p2 $0x0  }
0x16: {  	s3 =	sld [smem:$0x3FDB];
	s0 =	simm.s32 @p2 $0x1  }
0x17: {  	s4 =	simm.s32 $0x1BF5;
	[smem:$0x3FB2] =	sst s0  }
0x18: {  	s0 =	sld [smem:$0x3F95];
	_ =	swait.ge [sflag:s4], $0x0  }
0x19: {  	s7 =	sld [smem:$0x3F96]  }
0x1a: {  	s8 =	sadd.s32 $0xFFFFE003, lr  }
0x1b: {  	s9 =	sadd.s32 $0xFFFFFEF7, lr;
	s5 =	simm.s32 $0xFFFFFFFF;
	p2 =	slt.u32 s8, $0xFFFFF086  }
0x1c: {  	p1 =	slt.u32 s9, $0xF7A;
	s5 =	simm.s32 @!p2 $0x0  }
0x1d: {  	s5 =	simm.s32 @p1 $0x1;
	p0 =	seq.s32 s7, s2  }
0x1e: {  	s7 =	smul.u32 @!p0 $0xF7A, s2;
	p2 =	seq.s32 @!p0 s5, $0x0  }
0x1f: {  	s9 =	smul.u32 $0xF7A, s1;
	s8 =	simm.s32 @!p0 $0x1BF5;
	p2 =	por !p2, p0  }
0x20: {  	[sflag:s8] =	ssyncset.s32 @!p0 $0xFFFFF086;
	s6 =	sadd.s32 @!p0 s3, s7;
	s7 =	simm.s32 @!p0 $0x108  }
0x21: {  	s3 =	sadd.s32 s3, s9;
	s6 =	sadd.s32 @!p0 $0x88, s6;
	s7 =	simm.s32 @p2 $0x1082  }
0x22: {  	[simem:s7], [sflag:s8] =	dma.local @!p0 [hbm:s6], $0xF7A  }
0x23: {  	s9 =	sor.u32 $0xD0000000, s2;
	s6 =	simm.s32 $0x108;
	_ =	swait.ge @!p0 [sflag:s8], $0x0  }
0x24: {  	s3 =	sadd.s32 $0x88, s3;
	s6 =	simm.s32 @!p1 $0x1082;
	[sflag:s4] =	ssyncset.s32 $0xFFFFF086  }
0x25: {  	[simem:s6], [sflag:s4] =	dma.local [hbm:s3], $0xF7A  }
0x26: {  	[smem:$0x3F96] =	sst s1;
	(tag) =	ssettag s2;
	_ =	strace s9  }
0x27: {  	s1 =	sld [smem:$0x3FA6]  }
0x28: {  	s2 =	sld [smem:$0x3FA7]  }
0x29: {  	s4 =	sld [smem:$0x3FA9]  }
0x2a: {  	p0 =	seq.s32 s5, $0x0;
	s5 =	sld [smem:$0x3FAA]  }
0x2b: {  	s6 =	sld [smem:$0x3FAB]  }
0x2c: {  	s7 =	sld [smem:$0x3FAC]  }
0x2d: {  	s3 =	simm.s32 $0x108;
	s8 =	sld [smem:$0x3FAD]  }
0x2e: {  	s3 =	simm.s32 @!p0 $0x1082;
	s9 =	sld [smem:$0x3FAE]  }
0x2f: {  	lr =	sadd.s32 s0, s3;
	s0 =	sld [smem:$0x3FA5]  }
0x30: {  	s3 =	sld [smem:$0x3FA8]  }
0x31: {  	[smem:$0x3FB1] =	sst s10  }
0x32: {  	s10 =	sld [smem:$0x3FAF];
	_ =	sdelay $0x3  }
0x33: {  	p0 =	seq.s32 s10, $0x1;
	s10 =	sld [smem:$0x3FB1];
	_ =	sdelay $0x3  }
0x34: {  	[smem:$0x3FB1] =	sst s10  }
0x35: {  	s10 =	sld [smem:$0x3FB0];
	_ =	sdelay $0x3  }
0x36: {  	p1 =	seq.s32 s10, $0x1;
	s10 =	sld [smem:$0x3FB1];
	_ =	sdelay $0x3  }
0x37: {  	[smem:$0x3FB1] =	sst s10  }
0x38: {  	s10 =	sld [smem:$0x3FB2]  }
0x39: {  	_ = 	snop;
	(pc) =	sbr.ind lr, $3  }
0x3a: {  	_ = 	snop  }
0x3b: {  	_ = 	snop  }
0x3c: {  	p2 =	seq.s32 s10, $0x1;
	s10 =	sld [smem:$0x3FB1]  }
0x3d: {  	_ =	shalt  }
0x3e: {  	_ =	shalt  }
0x3f: {  	_ =	shalt  }
0x40: {  	_ =	shalt  }
0x41: {  	_ =	shalt  }
0x42: {  	_ =	shalt  }
0x43: {  	_ =	shalt  }
0x44: {  	_ =	shalt  }
0x45: {  	_ =	shalt  }
0x46: {  	_ =	shalt  }
0x47: {  	_ =	shalt  }
0x48: {  	_ =	shalt  }
0x49: {  	_ =	shalt  }
0x4a: {  	_ =	shalt  }
0x4b: {  	_ =	shalt  }
0x4c: {  	_ =	shalt  }
0x4d: {  	_ =	shalt  }
0x4e: {  	_ =	shalt  }
0x4f: {  	_ =	shalt  }
0x50: {  	_ =	shalt  }
0x51: {  	_ =	shalt  }
0x52: {  	_ =	shalt  }
0x53: {  	_ =	shalt  }
0x54: {  	_ =	shalt  }
0x55: {  	_ =	shalt  }
0x56: {  	_ =	shalt  }
0x57: {  	_ =	shalt  }
0x58: {  	_ =	shalt  }
0x59: {  	_ =	shalt  }
0x5a: {  	_ =	shalt  }
0x5b: {  	_ =	shalt  }
0x5c: {  	_ =	shalt  }
0x5d: {  	_ =	shalt  }
0x5e: {  	_ =	shalt  }
0x5f: {  	_ =	shalt  }
0x60: {  	_ =	shalt  }
0x61: {  	_ =	shalt  }
0x62: {  	_ =	shalt  }
0x63: {  	_ =	shalt  }
0x64: {  	_ =	shalt  }
0x65: {  	_ =	shalt  }
0x66: {  	_ =	shalt  }
0x67: {  	_ =	shalt  }
0x68: {  	_ =	shalt  }
0x69: {  	_ =	shalt  }
0x6a: {  	_ =	shalt  }
0x6b: {  	_ =	shalt  }
0x6c: {  	_ =	shalt  }
0x6d: {  	_ =	shalt  }
0x6e: {  	_ =	shalt  }
0x6f: {  	_ =	shalt  }
0x70: {  	_ =	shalt  }
0x71: {  	_ =	shalt  }
0x72: {  	_ =	shalt  }
0x73: {  	_ =	shalt  }
0x74: {  	_ =	shalt  }
0x75: {  	_ =	shalt  }
0x76: {  	_ =	shalt  }
0x77: {  	_ =	shalt  }
0x78: {  	_ =	shalt  }
0x79: {  	_ =	shalt  }
0x7a: {  	_ =	shalt  }
0x7b: {  	_ =	shalt  }
0x7c: {  	_ =	shalt  }
0x7d: {  	_ =	shalt  }
0x7e: {  	_ =	shalt  }
0x7f: {  	_ =	shalt  }
0x80: {  	_ =	shalt  }
0x81: {  	_ =	shalt  }
0x82: {  	_ =	shalt  }
0x83: {  	_ =	shalt  }
0x84: {  	_ =	shalt  }
0x85: {  	_ =	shalt  }
0x86: {  	_ =	shalt  }
0x87: {  	_ =	shalt  }
.Lfunc_end0:
.L_simem_size_0:
called_computation.1_lowered:
.L_overlay_start_0:
0x88: {  	s2 =	sld [smem:$0x3FD9]  }
0x89: {  	s3 =	sld [smem:$0x3FFE];
	_ =	sdelay $0x1  }
0x8a: {  	s1 =	srdreg.scid  }
0x8b: {  	s0 =	sand.u32 $0x1, s1  }
0x8c: {  	s17 =	sshll.u32 s0, $0xA;
	s2 =	sadd.s32 s3, s2  }
0x8d: {  	s2 =	sadd.s32 s2, s17  }
0x8e: {  	[smem:$0x3FBD] =	sst s2  }
0x8f: {  	_ = 	snop  }
0x90: {  	s2 =	sld [smem:$0x3FD0];
	(tm) =	ssettm $0x1  }
0x91: {  	s18 =	sld [smem:$0x3FFB];
	_ =	sdelay $0x3  }
0x92: {  	_ =	strace s18  }
0x93: {  	s3 =	sld [smem:$0x3FFC];
	_ =	sdelay $0x3  }
0x94: {  	_ =	strace s3  }
0x95: {  	s3 =	sld [smem:$0x3FFD];
	_ =	sdelay $0x3  }
0x96: {  	_ =	strace s3  }
0x97: {  	_ =	strace $0x8FFFFFFF  }
0x98: {  	s19 =	sld [smem:$0x3FDB];
	_ =	sdelay $0x1  }
0x99: {  	s4 =	simm.s32 $_scs_section_size  }
0x9a: {  	s5 =	simm.s32 $_size__tile_overlayer_lowered;
	s6 =	simm.s32 $_tile_overlayer_lowered  }
0x9b: {  	s22 =	simm.s32 $0x1BFF;
	s21 =	sshll.u32 s6, $0x1;
	s3 =	sadd.s32 s4, s19  }
0x9c: {  	s7 =	simm.s32 $0x0;
	s20 =	sshll.u32 s5, $0x1;
	s5 =	sadd.s32 s21, s3  }
0x9d: {  	[timem:s7], [sflag:s22] =	dma.local [hbm:s5], s20  }
0x9e: {  	_ =	swait.ge [sflag:s22], s20  }
0x9f: {  	s4 =	ssub.s32 $0x0, s20;
	[sflag:s22] =	ssyncset.done $0x0  }
0xa0: {  	[sflag:s22] =	ssyncadd.s32 s4;
	_ =	sdelay $0x1  }
0xa1: {  	s23 =	simm.s32 $0x1B8B  }
0xa2: {  	_ =	swait.ge [sflag:s23], $0x1  }
0xa3: {  	[sflag:s23] =	ssyncset.done $0x0  }
0xa4: {  	s25 =	simm.s32 $0x1B8E;
	s24 =	sld [smem:$0x3FFE];
	[sflag:s23] =	ssyncadd.s32 $0xFFFFFFFF  }
0xa5: {  	s26 =	simm.s32 $execute0_lowered;
	[smem:$0x3FD2] =	sst s25  }
0xa6: {  	s5 =	sshll.u32 s26, $0x1;
	_ =	strace $0x80000049;
	[dreg:$0x1] =	wrdreg $0xFFFFFFFF  }
0xa7: {  	s28 =	simm.s32 $_size_execute0_lowered;
	s3 =	sadd.s32 s3, s5;
	[dreg:$0x0] =	wrdreg $0x0  }
0xa8: {  	s5 =	sshll.u32 s28, $0x1;
	[dreg:$0x2] =	wrdreg s3  }
0xa9: {  	[dreg:$0x3] =	wrdreg s5  }
0xaa: {  	[dreg:$0x4] =	wrdreg $0xC0  }
0xab: {  	_ =	task [dreg:s7], $0x5FFFF  }
0xac: {  	[dreg:$0x1] =	wrdreg $0xFFFFFFFF  }
0xad: {  	[dreg:$0x0] =	wrdreg $0x60  }
0xae: {  	[dreg:$0x2] =	wrdreg s24  }
0xaf: {  	[dreg:$0x3] =	wrdreg s2  }
0xb0: {  	[dreg:$0x4] =	wrdreg $0xA8000  }
0xb1: {  	[dreg:$0x5] =	wrdreg $0x9  }
0xb2: {  	_ =	task.clear_ibuf [dreg:s7], $0x6FFFF;
	_ =	strace $0x90000049  }
0xb3: {  	s29 =	simm.s32 $0x9;
	_ =	strace $0x8000004B  }
0xb4: {  	_ =	swait.ge [sflag:s29], $0x1  }
0xb5: {  	[sflag:s29] =	ssyncadd.s32 $0xFFFFFFFF  }
0xb6: {  	_ =	strace $0x9000004B  }
0xb7: {  	_ =	sfence  }
0xb8: {  	s30 =	sld [smem:$0x0];
	_ =	sdelay $0x2  }
0xb9: {  	s31 =	sshll.u32 s1, $0xD;
	s1 =	sshrl.u32 s1, $0x2  }
0xba: {  	s3 =	sand.u32 $0x4000, s31;
	s1 =	sadd.s32 s1, s30  }
0xbb: {  	s0 =	sor.u32 s3, s0;
	s1 =	sshll.u32 s1, $0x11  }
0xbc: {  	s0 =	sor.u32 s1, s0  }
0xbd: {  	s0 =	sadd.s32 $0x8F2B, s0  }
0xbe: {  	[sflag:s0] =	ssyncadd.remote.s32 $0x1  }
0xbf: {  	_ =	sfence.sel $0xFFFF  }
0xc0: {  	[dreg:$0x0] =	wrdreg $0xFFFFFFFF;
	(pc) =	sbr.abs _section_cstart, $3  }
0xc1: {  	[dreg:$0x1] =	wrdreg $0xFFFFFFFF  }
0xc2: {  	_ =	task.clear_ibuf [dreg:s7], $0x2FFFF;
	_ =	strace $0x9FFFFFFF  }
0xc3: {  	(tm) =	ssettm $0x7FFFFFFF  }
tec
execute0_lowered:
.L_overlay_start_1:
0x0: {  	(tag) =	ssettag $0x1  }
0x1: {  	s6 =	rddreg [dreg:$0x0]  }
0x2: {  	s1 =	rddreg [dreg:$0x1]  }
0x3: {  	s2 =	rddreg [dreg:$0x2]  }
0x4: {  	s0 =	rddreg [dreg:$0x3];
	s4 =	simm.s32 $0x0;
	s3 =	srdreg.scid  }
0x5: {  	s13 =	simm.s32 $0x4000;
	s14 =	simm.s32 $0x50;
	s15 =	simm.s32 $0x8000  }
0x6: {  	s16 =	simm.s32 $0x1;
	[smem:$0x7FF] =	sst s4;
	s7 =	sand.u32 $0x1, s3  }
0x7: {  	s17 =	simm.s32 $0x0;
	s3 =	stileid.u32;
	s5 =	smul.u32 $0x140000, s7  }
0x8: {  	s8 =	sshll.u32 s7, $0xF;
	s9 =	sshll.u32 s3, $0xB;
	s10 =	smul.u32 $0x14000, s3  }
0x9: {  	_ =	strace $0x8000004A;
	s29 =	smul.u32 $0x50000, s3;
	s7 =	ssub.s32 $0x2, s7  }
0xa: {  	s31 =	sshll.u32 s3, $0x6;
	s8 =	sor.u32 s9, s8;
	s30 =	sshrl.u32 s7, $0x1  }
0xb: {  	s8 =	sadd.s32 s8, s6;
	s28 =	sadd.s32 s10, s5;
	s5 =	sadd.s32 $0x22600, s6  }
0xc: {  	s10 =	sshrl.u32 s29, $0x2;
	s11 =	ssub.s32 s7, s30;
	s9 =	sshrl.u32 s28, $0x3  }
0xd: {  	s12 =	sadd.s32 s10, s2;
	s7 =	sadd.s32 $0x12600, s8;
	s8 =	sadd.s32 $0x1E00, s8  }
0xe: {  	s10 =	smax.u32 s11, $0x1;
	s9 =	sadd.s32 s9, s6;
	s6 =	sor.u32 $0x1C02, s31  }
0xf: {  	s11 =	sshrl.u32 s12, $0x3;
	s12 =	simm.s32 $0x2;
	s9 =	sadd.s32 $0x24E00, s9  }
.LBB2_1:
0x10: {  	[spmem:s11], [sflag:s6] =	dma.local [hbm:s5], $0x2800  }
0x11: {  	_ =	swait.ge [sflag:s12], $0x2800  }
0x12: {  	[sflag:s12] =	ssyncset.done $0x0  }
0x13: {  	[sflag:s12] =	ssyncadd.s32 $0xFFFFD800  }
0x14: {  	[tilespmem:s4], [sflag:$0x2] =	stream.linear.gather [hbm4b:s7+s4], $0x3E80, $0x38;
	[tilespmem:$0x1E800] =	vst v63  }
0x15: {  	_ =	swait.ge [sflag:s12], $0x3E80  }
0x16: {  	[sflag:s12] =	ssyncset.done $0x0  }
0x17: {  	[sflag:s12] =	ssyncadd.s32 $0xFFFFC180  }
0x18: {  	[tilespmem:s13], [sflag:$0x2] =	stream.linear.gather [hbm4b:s8+s4], $0x3E80, $0x38;
	[tilespmem:$0x1E800] =	vst v63  }
0x19: {  	_ =	swait.ge [sflag:s12], $0x3E80  }
0x1a: {  	[sflag:s12] =	ssyncset.done $0x0  }
0x1b: {  	[sflag:s12] =	ssyncadd.s32 $0xFFFFC180  }
0x1c: {  	s18 =	simm.s32 $0x0;
	[bflag:$0x0] =	sbarrier.arrive $0xFFFF  }
0x1d: {  	[tilespmem:s15], [sflag:$0x1] =	stream.indirect.gather [hbm4b:s1+s14], $0x80, s18, s14, $0xb8;
	[tilespmem:$0x1E800] =	vst v63  }
0x1e: {  	_ =	swait.ge [sflag:s16], $0x2800  }
0x1f: {  	[sflag:s16] =	ssyncset.done $0x0  }
0x20: {  	s31 =	simm.s32 $0x4000;
	[sflag:s16] =	ssyncadd.s32 $0xFFFFD800  }
0x21: {  	[spmem:s2] =	stream.indirect.scatter.add.f32 [tilespmem:s15], [sflag:$0x2], $0x80, s31, s14, $0xb8;
	[tilespmem:$0x1E800] =	vst v63  }
0x22: {  	_ =	swait.ge [sflag:s12], $0x2800  }
0x23: {  	s19 =	simm.s32 $0x400;
	s18 =	simm.s32 $0x200;
	[sflag:s12] =	ssyncset.done $0x0  }
.LBB2_2:
0x24: {  	s20 =	sshra.s32 s18, $0x2  }
0x25: {  	[sflag:s12] =	ssyncadd.s32 $0xFFFFD800;
	s18 =	smov.u32 s19;
	s21 =	sadd.s32 $0x200, s19  }
0x26: {  	[tilespmem:s15], [sflag:$0x1] =	stream.indirect.gather [hbm4b:s1+s14], $0x80, s20, s14, $0xb8;
	[tilespmem:$0x1E800] =	vst v63  }
0x27: {  	p0 =	sne.s32 s19, $0xF800;
	_ =	swait.ge [sflag:s16], $0x2800  }
.Ltmp0:
0x28: {  	[sflag:s16] =	ssyncset.done $0x0;
	(pc) =	sbr.rel @p0 .LBB2_2-.Ltmp0, $4  }
0x29: {  	s19 =	sadd.s32 $0x4000, s20;
	[sflag:s16] =	ssyncadd.s32 $0xFFFFD800  }
0x2a: {  	[spmem:s2] =	stream.indirect.scatter.add.f32 [tilespmem:s15], [sflag:$0x2], $0x80, s19, s14, $0xb8;
	[tilespmem:$0x1E800] =	vst v63  }
0x2b: {  	_ =	swait.ge [sflag:s12], $0x2800  }
0x2c: {  	s19 =	smov.u32 s21;
	[sflag:s12] =	ssyncset.done $0x0  }
0x2d: {  	s18 =	sshra.s32 s18, $0x2;
	[sflag:s12] =	ssyncadd.s32 $0xFFFFD800  }
0x2e: {  	[tilespmem:s15], [sflag:$0x1] =	stream.indirect.gather [hbm4b:s1+s14], $0x80, s18, s14, $0xb8;
	[tilespmem:$0x1E800] =	vst v63  }
0x2f: {  	_ =	swait.ge [sflag:s16], $0x2800  }
0x30: {  	[sflag:s16] =	ssyncset.done $0x0  }
0x31: {  	s18 =	sadd.s32 $0x4000, s18;
	[sflag:s16] =	ssyncadd.s32 $0xFFFFD800  }
0x32: {  	[spmem:s2] =	stream.indirect.scatter.add.f32 [tilespmem:s15], [sflag:$0x2], $0x80, s18, s14, $0xb8;
	[tilespmem:$0x1E800] =	vst v63  }
0x33: {  	_ =	swait.ge [sflag:s12], $0x2800  }
0x34: {  	s17 =	sadd.s32 $0x1, s17;
	[sflag:s12] =	ssyncset.done $0x0  }
0x35: {  	p0 =	sne.s32 s17, s10;
	[sflag:s12] =	ssyncadd.s32 $0xFFFFD800  }
.Ltmp1:
0x36: {  	[bflag:$0x0] =	sbarrier.arrive $0xFFFF;
	(pc) =	sbr.rel @p0 .LBB2_1-.Ltmp1, $4  }
0x37: {  	[hbm:s9], [sflag:s6] =	dma.local [spmem:s11], $0x2800  }
0x38: {  	_ =	swait.ge [sflag:s12], $0x2800  }
0x39: {  	[sflag:s12] =	ssyncset.done $0x0  }
0x3a: {  	[sflag:s12] =	ssyncadd.s32 $0xFFFFD800  }
0x3b: {  	_ =	sfence.sel $0x180000  }
0x3c: {  	[bflag:$0x0] =	sbarrier.arrive $0xFFFF  }
0x3d: {  	p0 =	sne.s32 s3, $0x0;
	_ =	strace $0x9000004A  }
0x3e: {  	s0 =	sadd.s32 @!p0 $0x100000, s0;
	[bflag:$0x2] =	sbarrier.arrive $0xFFFF  }
0x3f: {  	[sflag:s0] =	ssyncadd.tile.s32 @!p0 $0x1;
	_ =	shalt  }
.Lfunc_end2:
_tile_overlayer_lowered:
.L_overlay_start_2:
0x40: {  	(tag) =	ssettag $0x2  }
0x41: {  	s0 =	rddreg [dreg:$0x0];
	s2 =	stileid.u32  }
0x42: {  	s1 =	rddreg [dreg:$0x1];
	p0 =	sne.s32 s2, $0x0  }
0x43: {  	s3 =	rddreg [dreg:$0x2];
	[bflag:$0x3] =	sbarrier.arrive $0xFFFF;
	s2 =	simm.s32 @!p0 $0x1C02  }
0x44: {  	[timem:s3], [sflag:s2] =	dma.local @!p0 [hbm:s0], s1  }
0x45: {  	s0 =	simm.s32 @!p0 $0x2  }
0x46: {  	_ =	swait.ge @!p0 [sflag:s0], s1  }
0x47: {  	s1 =	ssub.s32 @!p0 $0x0, s1;
	[sflag:s0] =	ssyncset.done @!p0 $0x0  }
0x48: {  	[sflag:s0] =	ssyncadd.s32 @!p0 s1  }
0x49: {  	[bflag:$0x3] =	sbarrier.arrive $0xFFFF  }
0x4a: {  	_ =	shalt  }

</sc_bundles>
